<compile_context>
chip_gen: v7x
topology: tpu7x:2x2x1
jax: 0.10.2.dev20260603
libtpu: 0.0.44.dev20260713+nightly
codegen_flags: <defaults>
</compile_context>

<pallas_src>
import functools

import jax
import jax.numpy as jnp
from jax import lax
from jax.experimental import pallas as pl
from jax.experimental.pallas import tpu as pltpu
from jax.experimental.pallas import tpu_sc as plsc

N = 10000
N_PAD = 10112
E = 320000
D_IN = 128
D_HID = 128
D_OUT = 64

NUM_CORES = 2
NUM_SUBCORES = 16
NUM_WORKERS = NUM_CORES * NUM_SUBCORES
EDGE_B = 256
ROWS_C0 = 72
ROWS_C1 = 8
T_ROWS = NUM_SUBCORES * (ROWS_C0 + ROWS_C1)
E_PAD = T_ROWS * EDGE_B
D_CNT = 32
SUB_ROWS = N_PAD // NUM_SUBCORES

ROW_BLK = 1264


@functools.lru_cache(maxsize=None)
def _make_segsum(d, with_count):
    mesh = plsc.VectorSubcoreMesh(core_axis_name="c", subcore_axis_name="s")

    out_type = [jax.ShapeDtypeStruct((NUM_CORES, N_PAD, d), jnp.bfloat16)]
    scratch = [
        pltpu.VMEM((ROWS_C0, EDGE_B), jnp.int32),
        pltpu.VMEM((ROWS_C0, EDGE_B), jnp.int32),
        pltpu.VMEM((EDGE_B, d), jnp.bfloat16),
        pltpu.VMEM((EDGE_B, d), jnp.bfloat16),
        pltpu.VMEM_SHARED((N_PAD, d), jnp.bfloat16),
        pltpu.SemaphoreType.DMA,
        pltpu.SemaphoreType.DMA,
        pltpu.SemaphoreType.DMA,
        pltpu.SemaphoreType.DMA,
        pltpu.SemaphoreType.DMA,
        pltpu.SemaphoreType.DMA,
    ]
    if with_count:
        out_type.append(
            jax.ShapeDtypeStruct((NUM_CORES, N_PAD, D_CNT), jnp.bfloat16))
        scratch += [
            pltpu.VMEM((EDGE_B, D_CNT), jnp.bfloat16),
            pltpu.VMEM_SHARED((N_PAD, D_CNT), jnp.bfloat16),
        ]

    @functools.partial(
        pl.kernel,
        mesh=mesh,
        compiler_params=pltpu.CompilerParams(use_tc_tiling_on_sc=False),
        out_type=out_type,
        scratch_types=scratch,
    )
    def segsum(feat, src2, dst2, zeros, *rest):
        if with_count:
            (zc, ones, out, outc, sidx, didx, rows0, rows1, agg, sem0, sem1,
             sem2, sem3, sem4, sem5, onesv, cnt) = rest
        else:
            (out, sidx, didx, rows0, rows1, agg, sem0, sem1, sem2, sem3,
             sem4, sem5) = rest
        sems = (sem0, sem1, sem2, sem3)
        chunks = ((0, 160), (160, 160), (320, 160), (480, 152))
        c = lax.axis_index("c")
        s = lax.axis_index("s")

        def run_edges(base, nrows):
            pltpu.sync_copy(src2.at[pl.ds(base, nrows)], sidx.at[pl.ds(0, nrows)])
            pltpu.sync_copy(dst2.at[pl.ds(base, nrows)], didx.at[pl.ds(0, nrows)])
            pltpu.async_copy(feat.at[sidx.at[0]], rows0, sem0)
            pltpu.async_copy(feat.at[sidx.at[1]], rows1, sem1)

            def body(i, carry):
                t0 = 2 * i
                pltpu.make_async_copy(feat.at[sidx.at[t0]], rows0, sem0).wait()
                pltpu.sync_copy(rows0, agg.at[didx.at[t0]], add=True)
                if with_count:
                    pltpu.sync_copy(onesv, cnt.at[didx.at[t0]], add=True)

                @pl.when(i < nrows // 2 - 1)
                def _():
                    pltpu.async_copy(feat.at[sidx.at[t0 + 2]], rows0, sem0)

                pltpu.make_async_copy(feat.at[sidx.at[t0 + 1]], rows1, sem1).wait()
                pltpu.sync_copy(rows1, agg.at[didx.at[t0 + 1]], add=True)
                if with_count:
                    pltpu.sync_copy(onesv, cnt.at[didx.at[t0 + 1]], add=True)

                @pl.when(i < nrows // 2 - 1)
                def _():
                    pltpu.async_copy(feat.at[sidx.at[t0 + 3]], rows1, sem1)

                return carry

            lax.fori_loop(0, nrows // 2, body, 0)

        base = s * SUB_ROWS
        for (off, sz), sem in zip(chunks, sems):
            pltpu.async_copy(zeros.at[pl.ds(off, sz)],
                             agg.at[pl.ds(base + off, sz)], sem)
        if with_count:
            pltpu.async_copy(zc, cnt.at[pl.ds(base, SUB_ROWS)], sem4)
            pltpu.async_copy(ones, onesv, sem5)
        for (off, sz), sem in zip(chunks, sems):
            pltpu.make_async_copy(zeros.at[pl.ds(off, sz)],
                                  agg.at[pl.ds(base + off, sz)], sem).wait()
        if with_count:
            pltpu.make_async_copy(zc, cnt.at[pl.ds(base, SUB_ROWS)], sem4).wait()
            pltpu.make_async_copy(ones, onesv, sem5).wait()
        plsc.subcore_barrier()

        @pl.when(c == 0)
        def _():
            run_edges(s * ROWS_C0, ROWS_C0)

        @pl.when(c == 1)
        def _():
            run_edges(NUM_SUBCORES * ROWS_C0 + s * ROWS_C1, ROWS_C1)

        plsc.subcore_barrier()
        for (off, sz), sem in zip(chunks, sems):
            pltpu.async_copy(agg.at[pl.ds(base + off, sz)],
                             out.at[c, pl.ds(base + off, sz)], sem)
        if with_count:
            pltpu.async_copy(cnt.at[pl.ds(base, SUB_ROWS)],
                             outc.at[c, pl.ds(base, SUB_ROWS)], sem4)
        for (off, sz), sem in zip(chunks, sems):
            pltpu.make_async_copy(agg.at[pl.ds(base + off, sz)],
                                  out.at[c, pl.ds(base + off, sz)], sem).wait()
        if with_count:
            pltpu.make_async_copy(cnt.at[pl.ds(base, SUB_ROWS)],
                                  outc.at[c, pl.ds(base, SUB_ROWS)], sem4).wait()

    return segsum


def _segsum_l1(*args):
    return _make_segsum(D_HID, True)(*args)


def _segsum_l2(*args):
    return _make_segsum(D_OUT, False)(*args)


def _tc1_body(x_ref, w_ref, y1_ref, y2_ref):
    y = jnp.dot(x_ref[...], w_ref[...], preferred_element_type=jnp.float32)
    y1_ref[...] = y[:, :D_HID].astype(jnp.bfloat16)
    y2_ref[...] = y[:, D_HID:]


def _tc1(xp, wcat):
    grid = (N_PAD // ROW_BLK,)
    return pl.pallas_call(
        _tc1_body,
        grid=grid,
        in_specs=[
            pl.BlockSpec((ROW_BLK, D_IN), lambda i: (i, 0)),
            pl.BlockSpec((D_IN, 2 * D_HID), lambda i: (0, 0)),
        ],
        out_specs=[
            pl.BlockSpec((ROW_BLK, D_HID), lambda i: (i, 0)),
            pl.BlockSpec((ROW_BLK, D_HID), lambda i: (i, 0)),
        ],
        out_shape=[
            jax.ShapeDtypeStruct((N_PAD, D_HID), jnp.bfloat16),
            jax.ShapeDtypeStruct((N_PAD, D_HID), jnp.float32),
        ],
    )(xp, wcat)


def _tc2_body(p0_ref, p1_ref, c0_ref, c1_ref, y2_ref, b1_ref, w2_ref,
              g_ref, hr_ref, rinv_ref):
    a = p0_ref[...].astype(jnp.float32) + p1_ref[...].astype(jnp.float32)
    cnt = c0_ref[...].astype(jnp.float32) + c1_ref[...].astype(jnp.float32)
    inv = 1.0 / jnp.maximum(cnt[:, :1], 1.0)
    h = jnp.maximum(a * inv + b1_ref[...] + y2_ref[...], 0.0)
    hw = jnp.dot(h, w2_ref[...], preferred_element_type=jnp.float32)
    g_ref[...] = hw[:, :D_OUT].astype(jnp.bfloat16)
    hr_ref[...] = hw[:, D_OUT:]
    rinv_ref[...] = jnp.broadcast_to(inv, (a.shape[0], D_OUT))


def _tc2(p0, p1, c0, c1, y2, b1, w2cat):
    grid = (N_PAD // ROW_BLK,)
    return pl.pallas_call(
        _tc2_body,
        grid=grid,
        in_specs=[
            pl.BlockSpec((ROW_BLK, D_HID), lambda i: (i, 0)),
            pl.BlockSpec((ROW_BLK, D_HID), lambda i: (i, 0)),
            pl.BlockSpec((ROW_BLK, D_CNT), lambda i: (i, 0)),
            pl.BlockSpec((ROW_BLK, D_CNT), lambda i: (i, 0)),
            pl.BlockSpec((ROW_BLK, D_HID), lambda i: (i, 0)),
            pl.BlockSpec((1, D_HID), lambda i: (0, 0)),
            pl.BlockSpec((D_HID, 2 * D_OUT), lambda i: (0, 0)),
        ],
        out_specs=[
            pl.BlockSpec((ROW_BLK, D_OUT), lambda i: (i, 0)),
            pl.BlockSpec((ROW_BLK, D_OUT), lambda i: (i, 0)),
            pl.BlockSpec((ROW_BLK, D_OUT), lambda i: (i, 0)),
        ],
        out_shape=[
            jax.ShapeDtypeStruct((N_PAD, D_OUT), jnp.bfloat16),
            jax.ShapeDtypeStruct((N_PAD, D_OUT), jnp.float32),
            jax.ShapeDtypeStruct((N_PAD, D_OUT), jnp.float32),
        ],
    )(p0, p1, c0, c1, y2, b1, w2cat)


def _tc3_body(q0_ref, q1_ref, rinv_ref, hr_ref, b2_ref, z_ref):
    z_ref[...] = (
        (q0_ref[...].astype(jnp.float32) + q1_ref[...].astype(jnp.float32))
        * rinv_ref[...] + b2_ref[...] + hr_ref[...]
    )


def _tc3(q0, q1, rinv, hr, b2):
    grid = (N_PAD // ROW_BLK,)
    spec = pl.BlockSpec((ROW_BLK, D_OUT), lambda i: (i, 0))
    return pl.pallas_call(
        _tc3_body,
        grid=grid,
        in_specs=[spec, spec, spec, spec, pl.BlockSpec((1, D_OUT), lambda i: (0, 0))],
        out_specs=spec,
        out_shape=jax.ShapeDtypeStruct((N_PAD, D_OUT), jnp.float32),
    )(q0, q1, rinv, hr, b2)


def kernel(x, edge_index, W1l, b1, W1r, W2l, b2, W2r):
    src = edge_index[0].astype(jnp.int32)
    dst = edge_index[1].astype(jnp.int32)
    pad = E_PAD - E
    src2 = jnp.concatenate([src, jnp.zeros((pad,), jnp.int32)]).reshape(T_ROWS, EDGE_B)
    dst2 = jnp.concatenate([dst, jnp.full((pad,), N, jnp.int32)]).reshape(T_ROWS, EDGE_B)
    xp = jnp.pad(x, ((0, N_PAD - N), (0, 0)))

    y1a, y2 = _tc1(xp, jnp.concatenate([W1l, W1r], axis=1))
    agg1, cnt1 = _segsum_l1(
        y1a, src2, dst2,
        jnp.zeros((SUB_ROWS, D_HID), jnp.bfloat16),
        jnp.zeros((SUB_ROWS, D_CNT), jnp.bfloat16),
        jnp.ones((EDGE_B, D_CNT), jnp.bfloat16),
    )
    g, hr, rinv = _tc2(agg1[0], agg1[1], cnt1[0], cnt1[1], y2,
                       b1.reshape(1, D_HID),
                       jnp.concatenate([W2l, W2r], axis=1))
    (agg2,) = _segsum_l2(g, src2, dst2, jnp.zeros((SUB_ROWS, D_OUT), jnp.bfloat16))
    z = _tc3(agg2[0], agg2[1], rinv, hr, b2.reshape(1, D_OUT))
    return z[:N]

# --- scband reference (transcript-rebuilt; emitter-appended) ---
"""Pipeline reference for scband-sage-net-84756884619999 (READ-ONLY COPY).

The authoritative reference and input builder live on the scoring server;
editing this copy changes nothing except your own understanding.
"""

import jax, jax.numpy as jnp
import numpy as np

N_NODES = 10000
N_EDGES = 320000
D_IN = 128
D_HID = 128
D_OUT = 64


def setup_inputs(seed: int = 0) -> dict:
    key = jax.random.key(seed)
    ks = jax.random.split(key, 8)
    x = jax.random.normal(ks[0], (N_NODES, D_IN), dtype=jnp.float32)
    edge_index = jax.random.randint(ks[1], (2, N_EDGES), 0, N_NODES, dtype=jnp.int64)
    s1 = 1.0 / np.sqrt(D_IN)
    s2 = 1.0 / np.sqrt(D_HID)
    W1l = jax.random.uniform(ks[2], (D_IN, D_HID), jnp.float32, -s1, s1)
    b1 = jnp.zeros((D_HID,), jnp.float32)
    W1r = jax.random.uniform(ks[3], (D_IN, D_HID), jnp.float32, -s1, s1)
    W2l = jax.random.uniform(ks[4], (D_HID, D_OUT), jnp.float32, -s2, s2)
    b2 = jnp.zeros((D_OUT,), jnp.float32)
    W2r = jax.random.uniform(ks[5], (D_HID, D_OUT), jnp.float32, -s2, s2)
    return {"x": x, "edge_index": edge_index, "W1l": W1l, "b1": b1, "W1r": W1r, "W2l": W2l, "b2": b2, "W2r": W2r}


def _sage_conv(x, src, dst, Wl, bl, Wr, n_nodes):
    # PyG SAGEConv with mean aggregation: out = lin_l(mean_{j in N(i)} x_j) + lin_r(x_i)
    msgs = jnp.take(x, src, axis=0)                       # gather source features [E, d]
    agg = jax.ops.segment_sum(msgs, dst, num_segments=n_nodes)  # scatter-add by dst
    cnt = jax.ops.segment_sum(jnp.ones((src.shape[0], 1), x.dtype), dst, num_segments=n_nodes)
    mean = agg / jnp.clip(cnt, 1.0, None)
    return mean @ Wl + bl + x @ Wr


def reference(x, edge_index, W1l, b1, W1r, W2l, b2, W2r):
    src = edge_index[0]
    dst = edge_index[1]
    # encode(): conv1 -> relu -> dropout (eval mode: identity) -> conv2
    h = _sage_conv(x, src, dst, W1l, b1, W1r, N_NODES)
    h = jax.nn.relu(h)
    z = _sage_conv(h, src, dst, W2l, b2, W2r, N_NODES)
    return z

if __name__ == "__main__":
    import jax
    _d = setup_inputs()
    print(jax.jit(kernel)(*tuple(_d.values())))

</pallas_src>

<mosaic_0001>
#map = affine_map<(d0, d1) -> (0, 0)>
#map1 = affine_map<(d0, d1) -> (0, 0, 0)>
module attributes {stable_mosaic.version = 14 : i64} {
  func.func @segsum(%arg0: i32, %arg1: i32, %arg2: memref<10112x128xbf16, #tpu.memory_space<hbm>>, %arg3: memref<1280x256xi32, #tpu.memory_space<hbm>>, %arg4: memref<1280x256xi32, #tpu.memory_space<hbm>>, %arg5: memref<632x128xbf16, #tpu.memory_space<hbm>>, %arg6: memref<632x32xbf16, #tpu.memory_space<hbm>>, %arg7: memref<256x32xbf16, #tpu.memory_space<hbm>>, %arg8: memref<2x10112x128xbf16, #tpu.memory_space<hbm>>, %arg9: memref<2x10112x32xbf16, #tpu.memory_space<hbm>>, %arg10: memref<72x256xi32, #tpu.memory_space<vmem>>, %arg11: memref<72x256xi32, #tpu.memory_space<vmem>>, %arg12: memref<256x128xbf16, #tpu.memory_space<vmem>>, %arg13: memref<256x128xbf16, #tpu.memory_space<vmem>>, %arg14: memref<10112x128xbf16, #tpu.memory_space<vmem_shared>>, %arg15: memref<!tpu.dma_semaphore, #tpu.memory_space<semaphore_mem>>, %arg16: memref<!tpu.dma_semaphore, #tpu.memory_space<semaphore_mem>>, %arg17: memref<!tpu.dma_semaphore, #tpu.memory_space<semaphore_mem>>, %arg18: memref<!tpu.dma_semaphore, #tpu.memory_space<semaphore_mem>>, %arg19: memref<!tpu.dma_semaphore, #tpu.memory_space<semaphore_mem>>, %arg20: memref<!tpu.dma_semaphore, #tpu.memory_space<semaphore_mem>>, %arg21: memref<256x32xbf16, #tpu.memory_space<vmem>>, %arg22: memref<10112x32xbf16, #tpu.memory_space<vmem_shared>>) attributes {dimension_semantics = [#tpu.dimension_semantics<core_parallel>, #tpu.dimension_semantics<subcore_parallel>], iteration_bounds = array<i64: 2, 16>, scalar_prefetch = 0 : i64, scratch_operands = 13 : i64, tpu.core_type = #tpu.core_type<sc_vector_subcore>, window_params = [{transform_indices = #map}, {transform_indices = #map}, {transform_indices = #map}, {transform_indices = #map}, {transform_indices = #map}, {transform_indices = #map}, {transform_indices = #map1}, {transform_indices = #map1}]} {
    %mul3A = arith.constant 632 : i32
    %mul3A_0 = arith.muli %arg1, %mul3A : i32
    %add3A = arith.constant 0 : i32
    %add3A_1 = arith.addi %mul3A_0, %add3A : i32
    %dma_start3A = arith.constant 0 : i32
    %dma_start3A_2 = tpu.memref_slice %arg14[%add3A_1, %dma_start3A] : memref<10112x128xbf16, #tpu.memory_space<vmem_shared>> -> memref<160x128xbf16, #tpu.memory_space<vmem_shared>>
    %dma_start3A_3 = arith.constant 0 : i32
    %dma_start3A_4 = arith.constant 0 : i32
    %dma_start3A_5 = tpu.memref_slice %arg5[%dma_start3A_3, %dma_start3A_4] : memref<632x128xbf16, #tpu.memory_space<hbm>> -> memref<160x128xbf16, #tpu.memory_space<hbm>>
    tpu.enqueue_dma source(%dma_start3A_5 : memref<160x128xbf16, #tpu.memory_space<hbm>>) target(%dma_start3A_2 : memref<160x128xbf16, #tpu.memory_space<vmem_shared>>) target_semaphore(%arg15 : memref<!tpu.dma_semaphore, #tpu.memory_space<semaphore_mem>>)
    %add3A_6 = arith.constant 160 : i32
    %add3A_7 = arith.addi %mul3A_0, %add3A_6 : i32
    %dma_start3A_8 = arith.constant 0 : i32
    %dma_start3A_9 = tpu.memref_slice %arg14[%add3A_7, %dma_start3A_8] : memref<10112x128xbf16, #tpu.memory_space<vmem_shared>> -> memref<160x128xbf16, #tpu.memory_space<vmem_shared>>
    %dma_start3A_10 = arith.constant 160 : i32
    %dma_start3A_11 = arith.constant 0 : i32
    %dma_start3A_12 = tpu.memref_slice %arg5[%dma_start3A_10, %dma_start3A_11] : memref<632x128xbf16, #tpu.memory_space<hbm>> -> memref<160x128xbf16, #tpu.memory_space<hbm>>
    tpu.enqueue_dma source(%dma_start3A_12 : memref<160x128xbf16, #tpu.memory_space<hbm>>) target(%dma_start3A_9 : memref<160x128xbf16, #tpu.memory_space<vmem_shared>>) target_semaphore(%arg16 : memref<!tpu.dma_semaphore, #tpu.memory_space<semaphore_mem>>)
    %add3A_13 = arith.constant 320 : i32
    %add3A_14 = arith.addi %mul3A_0, %add3A_13 : i32
    %dma_start3A_15 = arith.constant 0 : i32
    %dma_start3A_16 = tpu.memref_slice %arg14[%add3A_14, %dma_start3A_15] : memref<10112x128xbf16, #tpu.memory_space<vmem_shared>> -> memref<160x128xbf16, #tpu.memory_space<vmem_shared>>
    %dma_start3A_17 = arith.constant 320 : i32
    %dma_start3A_18 = arith.constant 0 : i32
    %dma_start3A_19 = tpu.memref_slice %arg5[%dma_start3A_17, %dma_start3A_18] : memref<632x128xbf16, #tpu.memory_space<hbm>> -> memref<160x128xbf16, #tpu.memory_space<hbm>>
    tpu.enqueue_dma source(%dma_start3A_19 : memref<160x128xbf16, #tpu.memory_space<hbm>>) target(%dma_start3A_16 : memref<160x128xbf16, #tpu.memory_space<vmem_shared>>) target_semaphore(%arg17 : memref<!tpu.dma_semaphore, #tpu.memory_space<semaphore_mem>>)
    %add3A_20 = arith.constant 480 : i32
    %add3A_21 = arith.addi %mul3A_0, %add3A_20 : i32
    %dma_start3A_22 = arith.constant 0 : i32
    %dma_start3A_23 = tpu.memref_slice %arg14[%add3A_21, %dma_start3A_22] : memref<10112x128xbf16, #tpu.memory_space<vmem_shared>> -> memref<152x128xbf16, #tpu.memory_space<vmem_shared>>
    %dma_start3A_24 = arith.constant 480 : i32
    %dma_start3A_25 = arith.constant 0 : i32
    %dma_start3A_26 = tpu.memref_slice %arg5[%dma_start3A_24, %dma_start3A_25] : memref<632x128xbf16, #tpu.memory_space<hbm>> -> memref<152x128xbf16, #tpu.memory_space<hbm>>
    tpu.enqueue_dma source(%dma_start3A_26 : memref<152x128xbf16, #tpu.memory_space<hbm>>) target(%dma_start3A_23 : memref<152x128xbf16, #tpu.memory_space<vmem_shared>>) target_semaphore(%arg18 : memref<!tpu.dma_semaphore, #tpu.memory_space<semaphore_mem>>)
    %dma_start3A_27 = arith.constant 0 : i32
    %dma_start3A_28 = tpu.memref_slice %arg22[%mul3A_0, %dma_start3A_27] : memref<10112x32xbf16, #tpu.memory_space<vmem_shared>> -> memref<632x32xbf16, #tpu.memory_space<vmem_shared>>
    tpu.enqueue_dma source(%arg6 : memref<632x32xbf16, #tpu.memory_space<hbm>>) target(%dma_start3A_28 : memref<632x32xbf16, #tpu.memory_space<vmem_shared>>) target_semaphore(%arg19 : memref<!tpu.dma_semaphore, #tpu.memory_space<semaphore_mem>>)
    tpu.enqueue_dma source(%arg7 : memref<256x32xbf16, #tpu.memory_space<hbm>>) target(%arg21 : memref<256x32xbf16, #tpu.memory_space<vmem>>) target_semaphore(%arg20 : memref<!tpu.dma_semaphore, #tpu.memory_space<semaphore_mem>>)
    %add3A_29 = arith.constant 0 : i32
    %add3A_30 = arith.addi %mul3A_0, %add3A_29 : i32
    %dma_wait3A = arith.constant 0 : i32
    %dma_wait3A_31 = tpu.memref_slice %arg14[%add3A_30, %dma_wait3A] : memref<10112x128xbf16, #tpu.memory_space<vmem_shared>> -> memref<160x128xbf16, #tpu.memory_space<vmem_shared>>
    %dma_wait3A_32 = arith.constant 0 : i32
    %dma_wait3A_33 = arith.constant 0 : i32
    %dma_wait3A_34 = tpu.memref_slice %arg5[%dma_wait3A_32, %dma_wait3A_33] : memref<632x128xbf16, #tpu.memory_space<hbm>> -> memref<160x128xbf16, #tpu.memory_space<hbm>>
    tpu.wait_dma2 semaphore(%arg15 : memref<!tpu.dma_semaphore, #tpu.memory_space<semaphore_mem>>) src(%dma_wait3A_34 : memref<160x128xbf16, #tpu.memory_space<hbm>>) dst(%dma_wait3A_31 : memref<160x128xbf16, #tpu.memory_space<vmem_shared>>)
    %add3A_35 = arith.constant 160 : i32
    %add3A_36 = arith.addi %mul3A_0, %add3A_35 : i32
    %dma_wait3A_37 = arith.constant 0 : i32
    %dma_wait3A_38 = tpu.memref_slice %arg14[%add3A_36, %dma_wait3A_37] : memref<10112x128xbf16, #tpu.memory_space<vmem_shared>> -> memref<160x128xbf16, #tpu.memory_space<vmem_shared>>
    %dma_wait3A_39 = arith.constant 160 : i32
    %dma_wait3A_40 = arith.constant 0 : i32
    %dma_wait3A_41 = tpu.memref_slice %arg5[%dma_wait3A_39, %dma_wait3A_40] : memref<632x128xbf16, #tpu.memory_space<hbm>> -> memref<160x128xbf16, #tpu.memory_space<hbm>>
    tpu.wait_dma2 semaphore(%arg16 : memref<!tpu.dma_semaphore, #tpu.memory_space<semaphore_mem>>) src(%dma_wait3A_41 : memref<160x128xbf16, #tpu.memory_space<hbm>>) dst(%dma_wait3A_38 : memref<160x128xbf16, #tpu.memory_space<vmem_shared>>)
    %add3A_42 = arith.constant 320 : i32
    %add3A_43 = arith.addi %mul3A_0, %add3A_42 : i32
    %dma_wait3A_44 = arith.constant 0 : i32
    %dma_wait3A_45 = tpu.memref_slice %arg14[%add3A_43, %dma_wait3A_44] : memref<10112x128xbf16, #tpu.memory_space<vmem_shared>> -> memref<160x128xbf16, #tpu.memory_space<vmem_shared>>
    %dma_wait3A_46 = arith.constant 320 : i32
    %dma_wait3A_47 = arith.constant 0 : i32
    %dma_wait3A_48 = tpu.memref_slice %arg5[%dma_wait3A_46, %dma_wait3A_47] : memref<632x128xbf16, #tpu.memory_space<hbm>> -> memref<160x128xbf16, #tpu.memory_space<hbm>>
    tpu.wait_dma2 semaphore(%arg17 : memref<!tpu.dma_semaphore, #tpu.memory_space<semaphore_mem>>) src(%dma_wait3A_48 : memref<160x128xbf16, #tpu.memory_space<hbm>>) dst(%dma_wait3A_45 : memref<160x128xbf16, #tpu.memory_space<vmem_shared>>)
    %add3A_49 = arith.constant 480 : i32
    %add3A_50 = arith.addi %mul3A_0, %add3A_49 : i32
    %dma_wait3A_51 = arith.constant 0 : i32
    %dma_wait3A_52 = tpu.memref_slice %arg14[%add3A_50, %dma_wait3A_51] : memref<10112x128xbf16, #tpu.memory_space<vmem_shared>> -> memref<152x128xbf16, #tpu.memory_space<vmem_shared>>
    %dma_wait3A_53 = arith.constant 480 : i32
    %dma_wait3A_54 = arith.constant 0 : i32
    %dma_wait3A_55 = tpu.memref_slice %arg5[%dma_wait3A_53, %dma_wait3A_54] : memref<632x128xbf16, #tpu.memory_space<hbm>> -> memref<152x128xbf16, #tpu.memory_space<hbm>>
    tpu.wait_dma2 semaphore(%arg18 : memref<!tpu.dma_semaphore, #tpu.memory_space<semaphore_mem>>) src(%dma_wait3A_55 : memref<152x128xbf16, #tpu.memory_space<hbm>>) dst(%dma_wait3A_52 : memref<152x128xbf16, #tpu.memory_space<vmem_shared>>)
    %dma_wait3A_56 = arith.constant 0 : i32
    %dma_wait3A_57 = tpu.memref_slice %arg22[%mul3A_0, %dma_wait3A_56] : memref<10112x32xbf16, #tpu.memory_space<vmem_shared>> -> memref<632x32xbf16, #tpu.memory_space<vmem_shared>>
    tpu.wait_dma2 semaphore(%arg19 : memref<!tpu.dma_semaphore, #tpu.memory_space<semaphore_mem>>) src(%arg6 : memref<632x32xbf16, #tpu.memory_space<hbm>>) dst(%dma_wait3A_57 : memref<632x32xbf16, #tpu.memory_space<vmem_shared>>)
    tpu.wait_dma2 semaphore(%arg20 : memref<!tpu.dma_semaphore, #tpu.memory_space<semaphore_mem>>) src(%arg7 : memref<256x32xbf16, #tpu.memory_space<hbm>>) dst(%arg21 : memref<256x32xbf16, #tpu.memory_space<vmem>>)
    %barrier3A = arith.constant 0 : index
    tpu.barrier barrier_id(%barrier3A)
    %eq3A = arith.constant 0 : i32
    %eq3A_58 = arith.cmpi eq, %arg0, %eq3A : i32
    %convert_element_type3A = arith.extui %eq3A_58 : i1 to i32
    %cond3A = arith.constant 0 : i32
    %cond3A_59 = arith.cmpi ne, %convert_element_type3A, %cond3A : i32
    scf.if %cond3A_59 {
      %mul3A_148 = arith.constant 72 : i32
      %mul3A_149 = arith.muli %arg1, %mul3A_148 : i32
      "tpu.region"() ({
        %run_scoped3A = tpu.sem_alloc : memref<!tpu.dma_semaphore, #tpu.memory_space<semaphore_mem>>
        %dma_start3A_169 = arith.constant 0 : i32
        %dma_start3A_170 = arith.constant 0 : i32
        %dma_start3A_171 = tpu.memref_slice %arg10[%dma_start3A_169, %dma_start3A_170] : memref<72x256xi32, #tpu.memory_space<vmem>> -> memref<72x256xi32, #tpu.memory_space<vmem>>
        %dma_start3A_172 = arith.constant 0 : i32
        %dma_start3A_173 = tpu.memref_slice %arg3[%mul3A_149, %dma_start3A_172] : memref<1280x256xi32, #tpu.memory_space<hbm>> -> memref<72x256xi32, #tpu.memory_space<hbm>>
        %dma_start3A_174 = arith.constant 0 : i32
        %dma_start3A_175 = arith.constant 0 : i32
        %dma_start3A_176 = tpu.memref_slice %arg10[%dma_start3A_174, %dma_start3A_175] : memref<72x256xi32, #tpu.memory_space<vmem>> -> memref<72x256xi32, #tpu.memory_space<vmem>>
        %dma_start3A_177 = arith.constant 0 : i32
        %dma_start3A_178 = tpu.memref_slice %arg3[%mul3A_149, %dma_start3A_177] : memref<1280x256xi32, #tpu.memory_space<hbm>> -> memref<72x256xi32, #tpu.memory_space<hbm>>
        tpu.enqueue_dma source(%dma_start3A_178 : memref<72x256xi32, #tpu.memory_space<hbm>>) target(%dma_start3A_176 : memref<72x256xi32, #tpu.memory_space<vmem>>) target_semaphore(%run_scoped3A : memref<!tpu.dma_semaphore, #tpu.memory_space<semaphore_mem>>)
        %dma_wait3A_179 = arith.constant 0 : i32
        %dma_wait3A_180 = arith.constant 0 : i32
        %dma_wait3A_181 = tpu.memref_slice %arg10[%dma_wait3A_179, %dma_wait3A_180] : memref<72x256xi32, #tpu.memory_space<vmem>> -> memref<72x256xi32, #tpu.memory_space<vmem>>
        %dma_wait3A_182 = arith.constant 0 : i32
        %dma_wait3A_183 = tpu.memref_slice %arg3[%mul3A_149, %dma_wait3A_182] : memref<1280x256xi32, #tpu.memory_space<hbm>> -> memref<72x256xi32, #tpu.memory_space<hbm>>
        %dma_wait3A_184 = arith.constant 0 : i32
        %dma_wait3A_185 = arith.constant 0 : i32
        %dma_wait3A_186 = tpu.memref_slice %arg10[%dma_wait3A_184, %dma_wait3A_185] : memref<72x256xi32, #tpu.memory_space<vmem>> -> memref<72x256xi32, #tpu.memory_space<vmem>>
        %dma_wait3A_187 = arith.constant 0 : i32
        %dma_wait3A_188 = tpu.memref_slice %arg3[%mul3A_149, %dma_wait3A_187] : memref<1280x256xi32, #tpu.memory_space<hbm>> -> memref<72x256xi32, #tpu.memory_space<hbm>>
        tpu.wait_dma2 semaphore(%run_scoped3A : memref<!tpu.dma_semaphore, #tpu.memory_space<semaphore_mem>>) src(%dma_wait3A_188 : memref<72x256xi32, #tpu.memory_space<hbm>>) dst(%dma_wait3A_186 : memref<72x256xi32, #tpu.memory_space<vmem>>)
        tpu.yield
      }) : () -> ()
      "tpu.region"() ({
        %run_scoped3A = tpu.sem_alloc : memref<!tpu.dma_semaphore, #tpu.memory_space<semaphore_mem>>
        %dma_start3A_169 = arith.constant 0 : i32
        %dma_start3A_170 = arith.constant 0 : i32
        %dma_start3A_171 = tpu.memref_slice %arg11[%dma_start3A_169, %dma_start3A_170] : memref<72x256xi32, #tpu.memory_space<vmem>> -> memref<72x256xi32, #tpu.memory_space<vmem>>
        %dma_start3A_172 = arith.constant 0 : i32
        %dma_start3A_173 = tpu.memref_slice %arg4[%mul3A_149, %dma_start3A_172] : memref<1280x256xi32, #tpu.memory_space<hbm>> -> memref<72x256xi32, #tpu.memory_space<hbm>>
        %dma_start3A_174 = arith.constant 0 : i32
        %dma_start3A_175 = arith.constant 0 : i32
        %dma_start3A_176 = tpu.memref_slice %arg11[%dma_start3A_174, %dma_start3A_175] : memref<72x256xi32, #tpu.memory_space<vmem>> -> memref<72x256xi32, #tpu.memory_space<vmem>>
        %dma_start3A_177 = arith.constant 0 : i32
        %dma_start3A_178 = tpu.memref_slice %arg4[%mul3A_149, %dma_start3A_177] : memref<1280x256xi32, #tpu.memory_space<hbm>> -> memref<72x256xi32, #tpu.memory_space<hbm>>
        tpu.enqueue_dma source(%dma_start3A_178 : memref<72x256xi32, #tpu.memory_space<hbm>>) target(%dma_start3A_176 : memref<72x256xi32, #tpu.memory_space<vmem>>) target_semaphore(%run_scoped3A : memref<!tpu.dma_semaphore, #tpu.memory_space<semaphore_mem>>)
        %dma_wait3A_179 = arith.constant 0 : i32
        %dma_wait3A_180 = arith.constant 0 : i32
        %dma_wait3A_181 = tpu.memref_slice %arg11[%dma_wait3A_179, %dma_wait3A_180] : memref<72x256xi32, #tpu.memory_space<vmem>> -> memref<72x256xi32, #tpu.memory_space<vmem>>
        %dma_wait3A_182 = arith.constant 0 : i32
        %dma_wait3A_183 = tpu.memref_slice %arg4[%mul3A_149, %dma_wait3A_182] : memref<1280x256xi32, #tpu.memory_space<hbm>> -> memref<72x256xi32, #tpu.memory_space<hbm>>
        %dma_wait3A_184 = arith.constant 0 : i32
        %dma_wait3A_185 = arith.constant 0 : i32
        %dma_wait3A_186 = tpu.memref_slice %arg11[%dma_wait3A_184, %dma_wait3A_185] : memref<72x256xi32, #tpu.memory_space<vmem>> -> memref<72x256xi32, #tpu.memory_space<vmem>>
        %dma_wait3A_187 = arith.constant 0 : i32
        %dma_wait3A_188 = tpu.memref_slice %arg4[%mul3A_149, %dma_wait3A_187] : memref<1280x256xi32, #tpu.memory_space<hbm>> -> memref<72x256xi32, #tpu.memory_space<hbm>>
        tpu.wait_dma2 semaphore(%run_scoped3A : memref<!tpu.dma_semaphore, #tpu.memory_space<semaphore_mem>>) src(%dma_wait3A_188 : memref<72x256xi32, #tpu.memory_space<hbm>>) dst(%dma_wait3A_186 : memref<72x256xi32, #tpu.memory_space<vmem>>)
        tpu.yield
      }) : () -> ()
      %dma_start3A_150 = arith.constant 0 : i32
      %dma_start3A_151 = arith.constant 0 : i32
      %dma_start3A_152 = tpu.memref_slice %arg10[%dma_start3A_150, %dma_start3A_151] : memref<72x256xi32, #tpu.memory_space<vmem>> -> memref<1x256xi32, #tpu.memory_space<vmem>>
      %dma_start3A_153 = tpu.memref_squeeze %dma_start3A_152 : memref<1x256xi32, #tpu.memory_space<vmem>> -> memref<256xi32, #tpu.memory_space<vmem>>
      %dma_start3A_154 = arith.constant 0 : i32
      %dma_start3A_155 = arith.constant 0 : i32
      %dma_start3A_156 = tpu.memref_slice %arg2[%dma_start3A_154, %dma_start3A_155] : memref<10112x128xbf16, #tpu.memory_space<hbm>> -> memref<10112x128xbf16, #tpu.memory_space<hbm>>
      tpu.enqueue_indirect_dma source(%dma_start3A_156 : memref<10112x128xbf16, #tpu.memory_space<hbm>>) target(%arg12 : memref<256x128xbf16, #tpu.memory_space<vmem>>) offsets(%dma_start3A_153 : memref<256xi32, #tpu.memory_space<vmem>>) semaphore(%arg15 : memref<!tpu.dma_semaphore, #tpu.memory_space<semaphore_mem>>)
      %dma_start3A_157 = arith.constant 1 : i32
      %dma_start3A_158 = arith.constant 0 : i32
      %dma_start3A_159 = tpu.memref_slice %arg10[%dma_start3A_157, %dma_start3A_158] : memref<72x256xi32, #tpu.memory_space<vmem>> -> memref<1x256xi32, #tpu.memory_space<vmem>>
      %dma_start3A_160 = tpu.memref_squeeze %dma_start3A_159 : memref<1x256xi32, #tpu.memory_space<vmem>> -> memref<256xi32, #tpu.memory_space<vmem>>
      %dma_start3A_161 = arith.constant 0 : i32
      %dma_start3A_162 = arith.constant 0 : i32
      %dma_start3A_163 = tpu.memref_slice %arg2[%dma_start3A_161, %dma_start3A_162] : memref<10112x128xbf16, #tpu.memory_space<hbm>> -> memref<10112x128xbf16, #tpu.memory_space<hbm>>
      tpu.enqueue_indirect_dma source(%dma_start3A_163 : memref<10112x128xbf16, #tpu.memory_space<hbm>>) target(%arg13 : memref<256x128xbf16, #tpu.memory_space<vmem>>) offsets(%dma_start3A_160 : memref<256xi32, #tpu.memory_space<vmem>>) semaphore(%arg16 : memref<!tpu.dma_semaphore, #tpu.memory_space<semaphore_mem>>)
      %scan3A = arith.constant 0 : i32
      %scan3A_164 = arith.constant 0 : i32
      %scan3A_165 = arith.constant 36 : i32
      %scan3A_166 = arith.addi %scan3A_164, %scan3A_165 : i32
      %scan3A_167 = arith.constant 1 : i32
      scf.for %scan3A_169 = %scan3A_164 to %scan3A_166 step %scan3A_167  : i32 {
        %mul3A_170 = arith.constant 2 : i32
        %mul3A_171 = arith.muli %mul3A_170, %scan3A_169 : i32
        %dma_wait3A_172 = arith.constant 0 : i32
        %dma_wait3A_173 = tpu.memref_slice %arg10[%mul3A_171, %dma_wait3A_172] : memref<72x256xi32, #tpu.memory_space<vmem>> -> memref<1x256xi32, #tpu.memory_space<vmem>>
        %dma_wait3A_174 = tpu.memref_squeeze %dma_wait3A_173 : memref<1x256xi32, #tpu.memory_space<vmem>> -> memref<256xi32, #tpu.memory_space<vmem>>
        %dma_wait3A_175 = arith.constant 0 : i32
        %dma_wait3A_176 = arith.constant 0 : i32
        %dma_wait3A_177 = tpu.memref_slice %arg2[%dma_wait3A_175, %dma_wait3A_176] : memref<10112x128xbf16, #tpu.memory_space<hbm>> -> memref<10112x128xbf16, #tpu.memory_space<hbm>>
        tpu.wait_indirect_dma semaphore(%arg15 : memref<!tpu.dma_semaphore, #tpu.memory_space<semaphore_mem>>) src(%dma_wait3A_177 : memref<10112x128xbf16, #tpu.memory_space<hbm>>) dst(%arg12 : memref<256x128xbf16, #tpu.memory_space<vmem>>)
        "tpu.region"() ({
          %run_scoped3A = tpu.sem_alloc : memref<!tpu.dma_semaphore, #tpu.memory_space<semaphore_mem>>
          %dma_start3A_199 = arith.constant 0 : i32
          %dma_start3A_200 = tpu.memref_slice %arg11[%mul3A_171, %dma_start3A_199] : memref<72x256xi32, #tpu.memory_space<vmem>> -> memref<1x256xi32, #tpu.memory_space<vmem>>
          %dma_start3A_201 = tpu.memref_squeeze %dma_start3A_200 : memref<1x256xi32, #tpu.memory_space<vmem>> -> memref<256xi32, #tpu.memory_space<vmem>>
          %dma_start3A_202 = arith.constant 0 : i32
          %dma_start3A_203 = arith.constant 0 : i32
          %dma_start3A_204 = tpu.memref_slice %arg14[%dma_start3A_202, %dma_start3A_203] : memref<10112x128xbf16, #tpu.memory_space<vmem_shared>> -> memref<10112x128xbf16, #tpu.memory_space<vmem_shared>>
          tpu.enqueue_indirect_dma source(%arg12 : memref<256x128xbf16, #tpu.memory_space<vmem>>) target(%dma_start3A_204 : memref<10112x128xbf16, #tpu.memory_space<vmem_shared>>) offsets(%dma_start3A_201 : memref<256xi32, #tpu.memory_space<vmem>>) semaphore(%run_scoped3A : memref<!tpu.dma_semaphore, #tpu.memory_space<semaphore_mem>>) {add = true}
          %dma_wait3A_205 = arith.constant 0 : i32
          %dma_wait3A_206 = tpu.memref_slice %arg11[%mul3A_171, %dma_wait3A_205] : memref<72x256xi32, #tpu.memory_space<vmem>> -> memref<1x256xi32, #tpu.memory_space<vmem>>
          %dma_wait3A_207 = tpu.memref_squeeze %dma_wait3A_206 : memref<1x256xi32, #tpu.memory_space<vmem>> -> memref<256xi32, #tpu.memory_space<vmem>>
          %dma_wait3A_208 = arith.constant 0 : i32
          %dma_wait3A_209 = arith.constant 0 : i32
          %dma_wait3A_210 = tpu.memref_slice %arg14[%dma_wait3A_208, %dma_wait3A_209] : memref<10112x128xbf16, #tpu.memory_space<vmem_shared>> -> memref<10112x128xbf16, #tpu.memory_space<vmem_shared>>
          tpu.wait_indirect_dma semaphore(%run_scoped3A : memref<!tpu.dma_semaphore, #tpu.memory_space<semaphore_mem>>) src(%arg12 : memref<256x128xbf16, #tpu.memory_space<vmem>>) dst(%dma_wait3A_210 : memref<10112x128xbf16, #tpu.memory_space<vmem_shared>>)
          tpu.yield
        }) : () -> ()
        "tpu.region"() ({
          %run_scoped3A = tpu.sem_alloc : memref<!tpu.dma_semaphore, #tpu.memory_space<semaphore_mem>>
          %dma_start3A_199 = arith.constant 0 : i32
          %dma_start3A_200 = tpu.memref_slice %arg11[%mul3A_171, %dma_start3A_199] : memref<72x256xi32, #tpu.memory_space<vmem>> -> memref<1x256xi32, #tpu.memory_space<vmem>>
          %dma_start3A_201 = tpu.memref_squeeze %dma_start3A_200 : memref<1x256xi32, #tpu.memory_space<vmem>> -> memref<256xi32, #tpu.memory_space<vmem>>
          %dma_start3A_202 = arith.constant 0 : i32
          %dma_start3A_203 = arith.constant 0 : i32
          %dma_start3A_204 = tpu.memref_slice %arg22[%dma_start3A_202, %dma_start3A_203] : memref<10112x32xbf16, #tpu.memory_space<vmem_shared>> -> memref<10112x32xbf16, #tpu.memory_space<vmem_shared>>
          tpu.enqueue_indirect_dma source(%arg21 : memref<256x32xbf16, #tpu.memory_space<vmem>>) target(%dma_start3A_204 : memref<10112x32xbf16, #tpu.memory_space<vmem_shared>>) offsets(%dma_start3A_201 : memref<256xi32, #tpu.memory_space<vmem>>) semaphore(%run_scoped3A : memref<!tpu.dma_semaphore, #tpu.memory_space<semaphore_mem>>) {add = true}
          %dma_wait3A_205 = arith.constant 0 : i32
          %dma_wait3A_206 = tpu.memref_slice %arg11[%mul3A_171, %dma_wait3A_205] : memref<72x256xi32, #tpu.memory_space<vmem>> -> memref<1x256xi32, #tpu.memory_space<vmem>>
          %dma_wait3A_207 = tpu.memref_squeeze %dma_wait3A_206 : memref<1x256xi32, #tpu.memory_space<vmem>> -> memref<256xi32, #tpu.memory_space<vmem>>
          %dma_wait3A_208 = arith.constant 0 : i32
          %dma_wait3A_209 = arith.constant 0 : i32
          %dma_wait3A_210 = tpu.memref_slice %arg22[%dma_wait3A_208, %dma_wait3A_209] : memref<10112x32xbf16, #tpu.memory_space<vmem_shared>> -> memref<10112x32xbf16, #tpu.memory_space<vmem_shared>>
          tpu.wait_indirect_dma semaphore(%run_scoped3A : memref<!tpu.dma_semaphore, #tpu.memory_space<semaphore_mem>>) src(%arg21 : memref<256x32xbf16, #tpu.memory_space<vmem>>) dst(%dma_wait3A_210 : memref<10112x32xbf16, #tpu.memory_space<vmem_shared>>)
          tpu.yield
        }) : () -> ()
        %lt3A = arith.constant 35 : i32
        %lt3A_178 = arith.cmpi slt, %scan3A_169, %lt3A : i32
        %convert_element_type3A_179 = arith.extui %lt3A_178 : i1 to i32
        %cond3A_180 = arith.constant 0 : i32
        %cond3A_181 = arith.cmpi ne, %convert_element_type3A_179, %cond3A_180 : i32
        scf.if %cond3A_181 {
          %add3A_199 = arith.constant 2 : i32
          %add3A_200 = arith.addi %mul3A_171, %add3A_199 : i32
          %dma_start3A_201 = arith.constant 0 : i32
          %dma_start3A_202 = tpu.memref_slice %arg10[%add3A_200, %dma_start3A_201] : memref<72x256xi32, #tpu.memory_space<vmem>> -> memref<1x256xi32, #tpu.memory_space<vmem>>
          %dma_start3A_203 = tpu.memref_squeeze %dma_start3A_202 : memref<1x256xi32, #tpu.memory_space<vmem>> -> memref<256xi32, #tpu.memory_space<vmem>>
          %dma_start3A_204 = arith.constant 0 : i32
          %dma_start3A_205 = arith.constant 0 : i32
          %dma_start3A_206 = tpu.memref_slice %arg2[%dma_start3A_204, %dma_start3A_205] : memref<10112x128xbf16, #tpu.memory_space<hbm>> -> memref<10112x128xbf16, #tpu.memory_space<hbm>>
          tpu.enqueue_indirect_dma source(%dma_start3A_206 : memref<10112x128xbf16, #tpu.memory_space<hbm>>) target(%arg12 : memref<256x128xbf16, #tpu.memory_space<vmem>>) offsets(%dma_start3A_203 : memref<256xi32, #tpu.memory_space<vmem>>) semaphore(%arg15 : memref<!tpu.dma_semaphore, #tpu.memory_space<semaphore_mem>>)
        } else {
        }
        %add3A_182 = arith.constant 1 : i32
        %add3A_183 = arith.addi %mul3A_171, %add3A_182 : i32
        %dma_wait3A_184 = arith.constant 0 : i32
        %dma_wait3A_185 = tpu.memref_slice %arg10[%add3A_183, %dma_wait3A_184] : memref<72x256xi32, #tpu.memory_space<vmem>> -> memref<1x256xi32, #tpu.memory_space<vmem>>
        %dma_wait3A_186 = tpu.memref_squeeze %dma_wait3A_185 : memref<1x256xi32, #tpu.memory_space<vmem>> -> memref<256xi32, #tpu.memory_space<vmem>>
        %dma_wait3A_187 = arith.constant 0 : i32
        %dma_wait3A_188 = arith.constant 0 : i32
        %dma_wait3A_189 = tpu.memref_slice %arg2[%dma_wait3A_187, %dma_wait3A_188] : memref<10112x128xbf16, #tpu.memory_space<hbm>> -> memref<10112x128xbf16, #tpu.memory_space<hbm>>
        tpu.wait_indirect_dma semaphore(%arg16 : memref<!tpu.dma_semaphore, #tpu.memory_space<semaphore_mem>>) src(%dma_wait3A_189 : memref<10112x128xbf16, #tpu.memory_space<hbm>>) dst(%arg13 : memref<256x128xbf16, #tpu.memory_space<vmem>>)
        %add3A_190 = arith.constant 1 : i32
        %add3A_191 = arith.addi %mul3A_171, %add3A_190 : i32
        "tpu.region"() ({
          %run_scoped3A = tpu.sem_alloc : memref<!tpu.dma_semaphore, #tpu.memory_space<semaphore_mem>>
          %dma_start3A_199 = arith.constant 0 : i32
          %dma_start3A_200 = tpu.memref_slice %arg11[%add3A_191, %dma_start3A_199] : memref<72x256xi32, #tpu.memory_space<vmem>> -> memref<1x256xi32, #tpu.memory_space<vmem>>
          %dma_start3A_201 = tpu.memref_squeeze %dma_start3A_200 : memref<1x256xi32, #tpu.memory_space<vmem>> -> memref<256xi32, #tpu.memory_space<vmem>>
          %dma_start3A_202 = arith.constant 0 : i32
          %dma_start3A_203 = arith.constant 0 : i32
          %dma_start3A_204 = tpu.memref_slice %arg14[%dma_start3A_202, %dma_start3A_203] : memref<10112x128xbf16, #tpu.memory_space<vmem_shared>> -> memref<10112x128xbf16, #tpu.memory_space<vmem_shared>>
          tpu.enqueue_indirect_dma source(%arg13 : memref<256x128xbf16, #tpu.memory_space<vmem>>) target(%dma_start3A_204 : memref<10112x128xbf16, #tpu.memory_space<vmem_shared>>) offsets(%dma_start3A_201 : memref<256xi32, #tpu.memory_space<vmem>>) semaphore(%run_scoped3A : memref<!tpu.dma_semaphore, #tpu.memory_space<semaphore_mem>>) {add = true}
          %dma_wait3A_205 = arith.constant 0 : i32
          %dma_wait3A_206 = tpu.memref_slice %arg11[%add3A_191, %dma_wait3A_205] : memref<72x256xi32, #tpu.memory_space<vmem>> -> memref<1x256xi32, #tpu.memory_space<vmem>>
          %dma_wait3A_207 = tpu.memref_squeeze %dma_wait3A_206 : memref<1x256xi32, #tpu.memory_space<vmem>> -> memref<256xi32, #tpu.memory_space<vmem>>
          %dma_wait3A_208 = arith.constant 0 : i32
          %dma_wait3A_209 = arith.constant 0 : i32
          %dma_wait3A_210 = tpu.memref_slice %arg14[%dma_wait3A_208, %dma_wait3A_209] : memref<10112x128xbf16, #tpu.memory_space<vmem_shared>> -> memref<10112x128xbf16, #tpu.memory_space<vmem_shared>>
          tpu.wait_indirect_dma semaphore(%run_scoped3A : memref<!tpu.dma_semaphore, #tpu.memory_space<semaphore_mem>>) src(%arg13 : memref<256x128xbf16, #tpu.memory_space<vmem>>) dst(%dma_wait3A_210 : memref<10112x128xbf16, #tpu.memory_space<vmem_shared>>)
          tpu.yield
        }) : () -> ()
        %add3A_192 = arith.constant 1 : i32
        %add3A_193 = arith.addi %mul3A_171, %add3A_192 : i32
        "tpu.region"() ({
          %run_scoped3A = tpu.sem_alloc : memref<!tpu.dma_semaphore, #tpu.memory_space<semaphore_mem>>
          %dma_start3A_199 = arith.constant 0 : i32
          %dma_start3A_200 = tpu.memref_slice %arg11[%add3A_193, %dma_start3A_199] : memref<72x256xi32, #tpu.memory_space<vmem>> -> memref<1x256xi32, #tpu.memory_space<vmem>>
          %dma_start3A_201 = tpu.memref_squeeze %dma_start3A_200 : memref<1x256xi32, #tpu.memory_space<vmem>> -> memref<256xi32, #tpu.memory_space<vmem>>
          %dma_start3A_202 = arith.constant 0 : i32
          %dma_start3A_203 = arith.constant 0 : i32
          %dma_start3A_204 = tpu.memref_slice %arg22[%dma_start3A_202, %dma_start3A_203] : memref<10112x32xbf16, #tpu.memory_space<vmem_shared>> -> memref<10112x32xbf16, #tpu.memory_space<vmem_shared>>
          tpu.enqueue_indirect_dma source(%arg21 : memref<256x32xbf16, #tpu.memory_space<vmem>>) target(%dma_start3A_204 : memref<10112x32xbf16, #tpu.memory_space<vmem_shared>>) offsets(%dma_start3A_201 : memref<256xi32, #tpu.memory_space<vmem>>) semaphore(%run_scoped3A : memref<!tpu.dma_semaphore, #tpu.memory_space<semaphore_mem>>) {add = true}
          %dma_wait3A_205 = arith.constant 0 : i32
          %dma_wait3A_206 = tpu.memref_slice %arg11[%add3A_193, %dma_wait3A_205] : memref<72x256xi32, #tpu.memory_space<vmem>> -> memref<1x256xi32, #tpu.memory_space<vmem>>
          %dma_wait3A_207 = tpu.memref_squeeze %dma_wait3A_206 : memref<1x256xi32, #tpu.memory_space<vmem>> -> memref<256xi32, #tpu.memory_space<vmem>>
          %dma_wait3A_208 = arith.constant 0 : i32
          %dma_wait3A_209 = arith.constant 0 : i32
          %dma_wait3A_210 = tpu.memref_slice %arg22[%dma_wait3A_208, %dma_wait3A_209] : memref<10112x32xbf16, #tpu.memory_space<vmem_shared>> -> memref<10112x32xbf16, #tpu.memory_space<vmem_shared>>
          tpu.wait_indirect_dma semaphore(%run_scoped3A : memref<!tpu.dma_semaphore, #tpu.memory_space<semaphore_mem>>) src(%arg21 : memref<256x32xbf16, #tpu.memory_space<vmem>>) dst(%dma_wait3A_210 : memref<10112x32xbf16, #tpu.memory_space<vmem_shared>>)
          tpu.yield
        }) : () -> ()
        %lt3A_194 = arith.constant 35 : i32
        %lt3A_195 = arith.cmpi slt, %scan3A_169, %lt3A_194 : i32
        %convert_element_type3A_196 = arith.extui %lt3A_195 : i1 to i32
        %cond3A_197 = arith.constant 0 : i32
        %cond3A_198 = arith.cmpi ne, %convert_element_type3A_196, %cond3A_197 : i32
        scf.if %cond3A_198 {
          %add3A_199 = arith.constant 3 : i32
          %add3A_200 = arith.addi %mul3A_171, %add3A_199 : i32
          %dma_start3A_201 = arith.constant 0 : i32
          %dma_start3A_202 = tpu.memref_slice %arg10[%add3A_200, %dma_start3A_201] : memref<72x256xi32, #tpu.memory_space<vmem>> -> memref<1x256xi32, #tpu.memory_space<vmem>>
          %dma_start3A_203 = tpu.memref_squeeze %dma_start3A_202 : memref<1x256xi32, #tpu.memory_space<vmem>> -> memref<256xi32, #tpu.memory_space<vmem>>
          %dma_start3A_204 = arith.constant 0 : i32
          %dma_start3A_205 = arith.constant 0 : i32
          %dma_start3A_206 = tpu.memref_slice %arg2[%dma_start3A_204, %dma_start3A_205] : memref<10112x128xbf16, #tpu.memory_space<hbm>> -> memref<10112x128xbf16, #tpu.memory_space<hbm>>
          tpu.enqueue_indirect_dma source(%dma_start3A_206 : memref<10112x128xbf16, #tpu.memory_space<hbm>>) target(%arg13 : memref<256x128xbf16, #tpu.memory_space<vmem>>) offsets(%dma_start3A_203 : memref<256xi32, #tpu.memory_space<vmem>>) semaphore(%arg16 : memref<!tpu.dma_semaphore, #tpu.memory_space<semaphore_mem>>)
        } else {
        }
      }
      %scan3A_168 = arith.constant 36 : i32
    } else {
    }
    %eq3A_60 = arith.constant 1 : i32
    %eq3A_61 = arith.cmpi eq, %arg0, %eq3A_60 : i32
    %convert_element_type3A_62 = arith.extui %eq3A_61 : i1 to i32
    %cond3A_63 = arith.constant 0 : i32
    %cond3A_64 = arith.cmpi ne, %convert_element_type3A_62, %cond3A_63 : i32
    scf.if %cond3A_64 {
      %mul3A_148 = arith.constant 8 : i32
      %mul3A_149 = arith.muli %arg1, %mul3A_148 : i32
      %add3A_150 = arith.constant 1152 : i32
      %add3A_151 = arith.addi %add3A_150, %mul3A_149 : i32
      "tpu.region"() ({
        %run_scoped3A = tpu.sem_alloc : memref<!tpu.dma_semaphore, #tpu.memory_space<semaphore_mem>>
        %dma_start3A_171 = arith.constant 0 : i32
        %dma_start3A_172 = arith.constant 0 : i32
        %dma_start3A_173 = tpu.memref_slice %arg10[%dma_start3A_171, %dma_start3A_172] : memref<72x256xi32, #tpu.memory_space<vmem>> -> memref<8x256xi32, #tpu.memory_space<vmem>>
        %dma_start3A_174 = arith.constant 0 : i32
        %dma_start3A_175 = tpu.memref_slice %arg3[%add3A_151, %dma_start3A_174] : memref<1280x256xi32, #tpu.memory_space<hbm>> -> memref<8x256xi32, #tpu.memory_space<hbm>>
        %dma_start3A_176 = arith.constant 0 : i32
        %dma_start3A_177 = arith.constant 0 : i32
        %dma_start3A_178 = tpu.memref_slice %arg10[%dma_start3A_176, %dma_start3A_177] : memref<72x256xi32, #tpu.memory_space<vmem>> -> memref<8x256xi32, #tpu.memory_space<vmem>>
        %dma_start3A_179 = arith.constant 0 : i32
        %dma_start3A_180 = tpu.memref_slice %arg3[%add3A_151, %dma_start3A_179] : memref<1280x256xi32, #tpu.memory_space<hbm>> -> memref<8x256xi32, #tpu.memory_space<hbm>>
        tpu.enqueue_dma source(%dma_start3A_180 : memref<8x256xi32, #tpu.memory_space<hbm>>) target(%dma_start3A_178 : memref<8x256xi32, #tpu.memory_space<vmem>>) target_semaphore(%run_scoped3A : memref<!tpu.dma_semaphore, #tpu.memory_space<semaphore_mem>>)
        %dma_wait3A_181 = arith.constant 0 : i32
        %dma_wait3A_182 = arith.constant 0 : i32
        %dma_wait3A_183 = tpu.memref_slice %arg10[%dma_wait3A_181, %dma_wait3A_182] : memref<72x256xi32, #tpu.memory_space<vmem>> -> memref<8x256xi32, #tpu.memory_space<vmem>>
        %dma_wait3A_184 = arith.constant 0 : i32
        %dma_wait3A_185 = tpu.memref_slice %arg3[%add3A_151, %dma_wait3A_184] : memref<1280x256xi32, #tpu.memory_space<hbm>> -> memref<8x256xi32, #tpu.memory_space<hbm>>
        %dma_wait3A_186 = arith.constant 0 : i32
        %dma_wait3A_187 = arith.constant 0 : i32
        %dma_wait3A_188 = tpu.memref_slice %arg10[%dma_wait3A_186, %dma_wait3A_187] : memref<72x256xi32, #tpu.memory_space<vmem>> -> memref<8x256xi32, #tpu.memory_space<vmem>>
        %dma_wait3A_189 = arith.constant 0 : i32
        %dma_wait3A_190 = tpu.memref_slice %arg3[%add3A_151, %dma_wait3A_189] : memref<1280x256xi32, #tpu.memory_space<hbm>> -> memref<8x256xi32, #tpu.memory_space<hbm>>
        tpu.wait_dma2 semaphore(%run_scoped3A : memref<!tpu.dma_semaphore, #tpu.memory_space<semaphore_mem>>) src(%dma_wait3A_190 : memref<8x256xi32, #tpu.memory_space<hbm>>) dst(%dma_wait3A_188 : memref<8x256xi32, #tpu.memory_space<vmem>>)
        tpu.yield
      }) : () -> ()
      "tpu.region"() ({
        %run_scoped3A = tpu.sem_alloc : memref<!tpu.dma_semaphore, #tpu.memory_space<semaphore_mem>>
        %dma_start3A_171 = arith.constant 0 : i32
        %dma_start3A_172 = arith.constant 0 : i32
        %dma_start3A_173 = tpu.memref_slice %arg11[%dma_start3A_171, %dma_start3A_172] : memref<72x256xi32, #tpu.memory_space<vmem>> -> memref<8x256xi32, #tpu.memory_space<vmem>>
        %dma_start3A_174 = arith.constant 0 : i32
        %dma_start3A_175 = tpu.memref_slice %arg4[%add3A_151, %dma_start3A_174] : memref<1280x256xi32, #tpu.memory_space<hbm>> -> memref<8x256xi32, #tpu.memory_space<hbm>>
        %dma_start3A_176 = arith.constant 0 : i32
        %dma_start3A_177 = arith.constant 0 : i32
        %dma_start3A_178 = tpu.memref_slice %arg11[%dma_start3A_176, %dma_start3A_177] : memref<72x256xi32, #tpu.memory_space<vmem>> -> memref<8x256xi32, #tpu.memory_space<vmem>>
        %dma_start3A_179 = arith.constant 0 : i32
        %dma_start3A_180 = tpu.memref_slice %arg4[%add3A_151, %dma_start3A_179] : memref<1280x256xi32, #tpu.memory_space<hbm>> -> memref<8x256xi32, #tpu.memory_space<hbm>>
        tpu.enqueue_dma source(%dma_start3A_180 : memref<8x256xi32, #tpu.memory_space<hbm>>) target(%dma_start3A_178 : memref<8x256xi32, #tpu.memory_space<vmem>>) target_semaphore(%run_scoped3A : memref<!tpu.dma_semaphore, #tpu.memory_space<semaphore_mem>>)
        %dma_wait3A_181 = arith.constant 0 : i32
        %dma_wait3A_182 = arith.constant 0 : i32
        %dma_wait3A_183 = tpu.memref_slice %arg11[%dma_wait3A_181, %dma_wait3A_182] : memref<72x256xi32, #tpu.memory_space<vmem>> -> memref<8x256xi32, #tpu.memory_space<vmem>>
        %dma_wait3A_184 = arith.constant 0 : i32
        %dma_wait3A_185 = tpu.memref_slice %arg4[%add3A_151, %dma_wait3A_184] : memref<1280x256xi32, #tpu.memory_space<hbm>> -> memref<8x256xi32, #tpu.memory_space<hbm>>
        %dma_wait3A_186 = arith.constant 0 : i32
        %dma_wait3A_187 = arith.constant 0 : i32
        %dma_wait3A_188 = tpu.memref_slice %arg11[%dma_wait3A_186, %dma_wait3A_187] : memref<72x256xi32, #tpu.memory_space<vmem>> -> memref<8x256xi32, #tpu.memory_space<vmem>>
        %dma_wait3A_189 = arith.constant 0 : i32
        %dma_wait3A_190 = tpu.memref_slice %arg4[%add3A_151, %dma_wait3A_189] : memref<1280x256xi32, #tpu.memory_space<hbm>> -> memref<8x256xi32, #tpu.memory_space<hbm>>
        tpu.wait_dma2 semaphore(%run_scoped3A : memref<!tpu.dma_semaphore, #tpu.memory_space<semaphore_mem>>) src(%dma_wait3A_190 : memref<8x256xi32, #tpu.memory_space<hbm>>) dst(%dma_wait3A_188 : memref<8x256xi32, #tpu.memory_space<vmem>>)
        tpu.yield
      }) : () -> ()
      %dma_start3A_152 = arith.constant 0 : i32
      %dma_start3A_153 = arith.constant 0 : i32
      %dma_start3A_154 = tpu.memref_slice %arg10[%dma_start3A_152, %dma_start3A_153] : memref<72x256xi32, #tpu.memory_space<vmem>> -> memref<1x256xi32, #tpu.memory_space<vmem>>
      %dma_start3A_155 = tpu.memref_squeeze %dma_start3A_154 : memref<1x256xi32, #tpu.memory_space<vmem>> -> memref<256xi32, #tpu.memory_space<vmem>>
      %dma_start3A_156 = arith.constant 0 : i32
      %dma_start3A_157 = arith.constant 0 : i32
      %dma_start3A_158 = tpu.memref_slice %arg2[%dma_start3A_156, %dma_start3A_157] : memref<10112x128xbf16, #tpu.memory_space<hbm>> -> memref<10112x128xbf16, #tpu.memory_space<hbm>>
      tpu.enqueue_indirect_dma source(%dma_start3A_158 : memref<10112x128xbf16, #tpu.memory_space<hbm>>) target(%arg12 : memref<256x128xbf16, #tpu.memory_space<vmem>>) offsets(%dma_start3A_155 : memref<256xi32, #tpu.memory_space<vmem>>) semaphore(%arg15 : memref<!tpu.dma_semaphore, #tpu.memory_space<semaphore_mem>>)
      %dma_start3A_159 = arith.constant 1 : i32
      %dma_start3A_160 = arith.constant 0 : i32
      %dma_start3A_161 = tpu.memref_slice %arg10[%dma_start3A_159, %dma_start3A_160] : memref<72x256xi32, #tpu.memory_space<vmem>> -> memref<1x256xi32, #tpu.memory_space<vmem>>
      %dma_start3A_162 = tpu.memref_squeeze %dma_start3A_161 : memref<1x256xi32, #tpu.memory_space<vmem>> -> memref<256xi32, #tpu.memory_space<vmem>>
      %dma_start3A_163 = arith.constant 0 : i32
      %dma_start3A_164 = arith.constant 0 : i32
      %dma_start3A_165 = tpu.memref_slice %arg2[%dma_start3A_163, %dma_start3A_164] : memref<10112x128xbf16, #tpu.memory_space<hbm>> -> memref<10112x128xbf16, #tpu.memory_space<hbm>>
      tpu.enqueue_indirect_dma source(%dma_start3A_165 : memref<10112x128xbf16, #tpu.memory_space<hbm>>) target(%arg13 : memref<256x128xbf16, #tpu.memory_space<vmem>>) offsets(%dma_start3A_162 : memref<256xi32, #tpu.memory_space<vmem>>) semaphore(%arg16 : memref<!tpu.dma_semaphore, #tpu.memory_space<semaphore_mem>>)
      %scan3A = arith.constant 0 : i32
      %scan3A_166 = arith.constant 0 : i32
      %scan3A_167 = arith.constant 4 : i32
      %scan3A_168 = arith.addi %scan3A_166, %scan3A_167 : i32
      %scan3A_169 = arith.constant 1 : i32
      scf.for %scan3A_171 = %scan3A_166 to %scan3A_168 step %scan3A_169  : i32 {
        %mul3A_172 = arith.constant 2 : i32
        %mul3A_173 = arith.muli %mul3A_172, %scan3A_171 : i32
        %dma_wait3A_174 = arith.constant 0 : i32
        %dma_wait3A_175 = tpu.memref_slice %arg10[%mul3A_173, %dma_wait3A_174] : memref<72x256xi32, #tpu.memory_space<vmem>> -> memref<1x256xi32, #tpu.memory_space<vmem>>
        %dma_wait3A_176 = tpu.memref_squeeze %dma_wait3A_175 : memref<1x256xi32, #tpu.memory_space<vmem>> -> memref<256xi32, #tpu.memory_space<vmem>>
        %dma_wait3A_177 = arith.constant 0 : i32
        %dma_wait3A_178 = arith.constant 0 : i32
        %dma_wait3A_179 = tpu.memref_slice %arg2[%dma_wait3A_177, %dma_wait3A_178] : memref<10112x128xbf16, #tpu.memory_space<hbm>> -> memref<10112x128xbf16, #tpu.memory_space<hbm>>
        tpu.wait_indirect_dma semaphore(%arg15 : memref<!tpu.dma_semaphore, #tpu.memory_space<semaphore_mem>>) src(%dma_wait3A_179 : memref<10112x128xbf16, #tpu.memory_space<hbm>>) dst(%arg12 : memref<256x128xbf16, #tpu.memory_space<vmem>>)
        "tpu.region"() ({
          %run_scoped3A = tpu.sem_alloc : memref<!tpu.dma_semaphore, #tpu.memory_space<semaphore_mem>>
          %dma_start3A_201 = arith.constant 0 : i32
          %dma_start3A_202 = tpu.memref_slice %arg11[%mul3A_173, %dma_start3A_201] : memref<72x256xi32, #tpu.memory_space<vmem>> -> memref<1x256xi32, #tpu.memory_space<vmem>>
          %dma_start3A_203 = tpu.memref_squeeze %dma_start3A_202 : memref<1x256xi32, #tpu.memory_space<vmem>> -> memref<256xi32, #tpu.memory_space<vmem>>
          %dma_start3A_204 = arith.constant 0 : i32
          %dma_start3A_205 = arith.constant 0 : i32
          %dma_start3A_206 = tpu.memref_slice %arg14[%dma_start3A_204, %dma_start3A_205] : memref<10112x128xbf16, #tpu.memory_space<vmem_shared>> -> memref<10112x128xbf16, #tpu.memory_space<vmem_shared>>
          tpu.enqueue_indirect_dma source(%arg12 : memref<256x128xbf16, #tpu.memory_space<vmem>>) target(%dma_start3A_206 : memref<10112x128xbf16, #tpu.memory_space<vmem_shared>>) offsets(%dma_start3A_203 : memref<256xi32, #tpu.memory_space<vmem>>) semaphore(%run_scoped3A : memref<!tpu.dma_semaphore, #tpu.memory_space<semaphore_mem>>) {add = true}
          %dma_wait3A_207 = arith.constant 0 : i32
          %dma_wait3A_208 = tpu.memref_slice %arg11[%mul3A_173, %dma_wait3A_207] : memref<72x256xi32, #tpu.memory_space<vmem>> -> memref<1x256xi32, #tpu.memory_space<vmem>>
          %dma_wait3A_209 = tpu.memref_squeeze %dma_wait3A_208 : memref<1x256xi32, #tpu.memory_space<vmem>> -> memref<256xi32, #tpu.memory_space<vmem>>
          %dma_wait3A_210 = arith.constant 0 : i32
          %dma_wait3A_211 = arith.constant 0 : i32
          %dma_wait3A_212 = tpu.memref_slice %arg14[%dma_wait3A_210, %dma_wait3A_211] : memref<10112x128xbf16, #tpu.memory_space<vmem_shared>> -> memref<10112x128xbf16, #tpu.memory_space<vmem_shared>>
          tpu.wait_indirect_dma semaphore(%run_scoped3A : memref<!tpu.dma_semaphore, #tpu.memory_space<semaphore_mem>>) src(%arg12 : memref<256x128xbf16, #tpu.memory_space<vmem>>) dst(%dma_wait3A_212 : memref<10112x128xbf16, #tpu.memory_space<vmem_shared>>)
          tpu.yield
        }) : () -> ()
        "tpu.region"() ({
          %run_scoped3A = tpu.sem_alloc : memref<!tpu.dma_semaphore, #tpu.memory_space<semaphore_mem>>
          %dma_start3A_201 = arith.constant 0 : i32
          %dma_start3A_202 = tpu.memref_slice %arg11[%mul3A_173, %dma_start3A_201] : memref<72x256xi32, #tpu.memory_space<vmem>> -> memref<1x256xi32, #tpu.memory_space<vmem>>
          %dma_start3A_203 = tpu.memref_squeeze %dma_start3A_202 : memref<1x256xi32, #tpu.memory_space<vmem>> -> memref<256xi32, #tpu.memory_space<vmem>>
          %dma_start3A_204 = arith.constant 0 : i32
          %dma_start3A_205 = arith.constant 0 : i32
          %dma_start3A_206 = tpu.memref_slice %arg22[%dma_start3A_204, %dma_start3A_205] : memref<10112x32xbf16, #tpu.memory_space<vmem_shared>> -> memref<10112x32xbf16, #tpu.memory_space<vmem_shared>>
          tpu.enqueue_indirect_dma source(%arg21 : memref<256x32xbf16, #tpu.memory_space<vmem>>) target(%dma_start3A_206 : memref<10112x32xbf16, #tpu.memory_space<vmem_shared>>) offsets(%dma_start3A_203 : memref<256xi32, #tpu.memory_space<vmem>>) semaphore(%run_scoped3A : memref<!tpu.dma_semaphore, #tpu.memory_space<semaphore_mem>>) {add = true}
          %dma_wait3A_207 = arith.constant 0 : i32
          %dma_wait3A_208 = tpu.memref_slice %arg11[%mul3A_173, %dma_wait3A_207] : memref<72x256xi32, #tpu.memory_space<vmem>> -> memref<1x256xi32, #tpu.memory_space<vmem>>
          %dma_wait3A_209 = tpu.memref_squeeze %dma_wait3A_208 : memref<1x256xi32, #tpu.memory_space<vmem>> -> memref<256xi32, #tpu.memory_space<vmem>>
          %dma_wait3A_210 = arith.constant 0 : i32
          %dma_wait3A_211 = arith.constant 0 : i32
          %dma_wait3A_212 = tpu.memref_slice %arg22[%dma_wait3A_210, %dma_wait3A_211] : memref<10112x32xbf16, #tpu.memory_space<vmem_shared>> -> memref<10112x32xbf16, #tpu.memory_space<vmem_shared>>
          tpu.wait_indirect_dma semaphore(%run_scoped3A : memref<!tpu.dma_semaphore, #tpu.memory_space<semaphore_mem>>) src(%arg21 : memref<256x32xbf16, #tpu.memory_space<vmem>>) dst(%dma_wait3A_212 : memref<10112x32xbf16, #tpu.memory_space<vmem_shared>>)
          tpu.yield
        }) : () -> ()
        %lt3A = arith.constant 3 : i32
        %lt3A_180 = arith.cmpi slt, %scan3A_171, %lt3A : i32
        %convert_element_type3A_181 = arith.extui %lt3A_180 : i1 to i32
        %cond3A_182 = arith.constant 0 : i32
        %cond3A_183 = arith.cmpi ne, %convert_element_type3A_181, %cond3A_182 : i32
        scf.if %cond3A_183 {
          %add3A_201 = arith.constant 2 : i32
          %add3A_202 = arith.addi %mul3A_173, %add3A_201 : i32
          %dma_start3A_203 = arith.constant 0 : i32
          %dma_start3A_204 = tpu.memref_slice %arg10[%add3A_202, %dma_start3A_203] : memref<72x256xi32, #tpu.memory_space<vmem>> -> memref<1x256xi32, #tpu.memory_space<vmem>>
          %dma_start3A_205 = tpu.memref_squeeze %dma_start3A_204 : memref<1x256xi32, #tpu.memory_space<vmem>> -> memref<256xi32, #tpu.memory_space<vmem>>
          %dma_start3A_206 = arith.constant 0 : i32
          %dma_start3A_207 = arith.constant 0 : i32
          %dma_start3A_208 = tpu.memref_slice %arg2[%dma_start3A_206, %dma_start3A_207] : memref<10112x128xbf16, #tpu.memory_space<hbm>> -> memref<10112x128xbf16, #tpu.memory_space<hbm>>
          tpu.enqueue_indirect_dma source(%dma_start3A_208 : memref<10112x128xbf16, #tpu.memory_space<hbm>>) target(%arg12 : memref<256x128xbf16, #tpu.memory_space<vmem>>) offsets(%dma_start3A_205 : memref<256xi32, #tpu.memory_space<vmem>>) semaphore(%arg15 : memref<!tpu.dma_semaphore, #tpu.memory_space<semaphore_mem>>)
        } else {
        }
        %add3A_184 = arith.constant 1 : i32
        %add3A_185 = arith.addi %mul3A_173, %add3A_184 : i32
        %dma_wait3A_186 = arith.constant 0 : i32
        %dma_wait3A_187 = tpu.memref_slice %arg10[%add3A_185, %dma_wait3A_186] : memref<72x256xi32, #tpu.memory_space<vmem>> -> memref<1x256xi32, #tpu.memory_space<vmem>>
        %dma_wait3A_188 = tpu.memref_squeeze %dma_wait3A_187 : memref<1x256xi32, #tpu.memory_space<vmem>> -> memref<256xi32, #tpu.memory_space<vmem>>
        %dma_wait3A_189 = arith.constant 0 : i32
        %dma_wait3A_190 = arith.constant 0 : i32
        %dma_wait3A_191 = tpu.memref_slice %arg2[%dma_wait3A_189, %dma_wait3A_190] : memref<10112x128xbf16, #tpu.memory_space<hbm>> -> memref<10112x128xbf16, #tpu.memory_space<hbm>>
        tpu.wait_indirect_dma semaphore(%arg16 : memref<!tpu.dma_semaphore, #tpu.memory_space<semaphore_mem>>) src(%dma_wait3A_191 : memref<10112x128xbf16, #tpu.memory_space<hbm>>) dst(%arg13 : memref<256x128xbf16, #tpu.memory_space<vmem>>)
        %add3A_192 = arith.constant 1 : i32
        %add3A_193 = arith.addi %mul3A_173, %add3A_192 : i32
        "tpu.region"() ({
          %run_scoped3A = tpu.sem_alloc : memref<!tpu.dma_semaphore, #tpu.memory_space<semaphore_mem>>
          %dma_start3A_201 = arith.constant 0 : i32
          %dma_start3A_202 = tpu.memref_slice %arg11[%add3A_193, %dma_start3A_201] : memref<72x256xi32, #tpu.memory_space<vmem>> -> memref<1x256xi32, #tpu.memory_space<vmem>>
          %dma_start3A_203 = tpu.memref_squeeze %dma_start3A_202 : memref<1x256xi32, #tpu.memory_space<vmem>> -> memref<256xi32, #tpu.memory_space<vmem>>
          %dma_start3A_204 = arith.constant 0 : i32
          %dma_start3A_205 = arith.constant 0 : i32
          %dma_start3A_206 = tpu.memref_slice %arg14[%dma_start3A_204, %dma_start3A_205] : memref<10112x128xbf16, #tpu.memory_space<vmem_shared>> -> memref<10112x128xbf16, #tpu.memory_space<vmem_shared>>
          tpu.enqueue_indirect_dma source(%arg13 : memref<256x128xbf16, #tpu.memory_space<vmem>>) target(%dma_start3A_206 : memref<10112x128xbf16, #tpu.memory_space<vmem_shared>>) offsets(%dma_start3A_203 : memref<256xi32, #tpu.memory_space<vmem>>) semaphore(%run_scoped3A : memref<!tpu.dma_semaphore, #tpu.memory_space<semaphore_mem>>) {add = true}
          %dma_wait3A_207 = arith.constant 0 : i32
          %dma_wait3A_208 = tpu.memref_slice %arg11[%add3A_193, %dma_wait3A_207] : memref<72x256xi32, #tpu.memory_space<vmem>> -> memref<1x256xi32, #tpu.memory_space<vmem>>
          %dma_wait3A_209 = tpu.memref_squeeze %dma_wait3A_208 : memref<1x256xi32, #tpu.memory_space<vmem>> -> memref<256xi32, #tpu.memory_space<vmem>>
          %dma_wait3A_210 = arith.constant 0 : i32
          %dma_wait3A_211 = arith.constant 0 : i32
          %dma_wait3A_212 = tpu.memref_slice %arg14[%dma_wait3A_210, %dma_wait3A_211] : memref<10112x128xbf16, #tpu.memory_space<vmem_shared>> -> memref<10112x128xbf16, #tpu.memory_space<vmem_shared>>
          tpu.wait_indirect_dma semaphore(%run_scoped3A : memref<!tpu.dma_semaphore, #tpu.memory_space<semaphore_mem>>) src(%arg13 : memref<256x128xbf16, #tpu.memory_space<vmem>>) dst(%dma_wait3A_212 : memref<10112x128xbf16, #tpu.memory_space<vmem_shared>>)
          tpu.yield
        }) : () -> ()
        %add3A_194 = arith.constant 1 : i32
        %add3A_195 = arith.addi %mul3A_173, %add3A_194 : i32
        "tpu.region"() ({
          %run_scoped3A = tpu.sem_alloc : memref<!tpu.dma_semaphore, #tpu.memory_space<semaphore_mem>>
          %dma_start3A_201 = arith.constant 0 : i32
          %dma_start3A_202 = tpu.memref_slice %arg11[%add3A_195, %dma_start3A_201] : memref<72x256xi32, #tpu.memory_space<vmem>> -> memref<1x256xi32, #tpu.memory_space<vmem>>
          %dma_start3A_203 = tpu.memref_squeeze %dma_start3A_202 : memref<1x256xi32, #tpu.memory_space<vmem>> -> memref<256xi32, #tpu.memory_space<vmem>>
          %dma_start3A_204 = arith.constant 0 : i32
          %dma_start3A_205 = arith.constant 0 : i32
          %dma_start3A_206 = tpu.memref_slice %arg22[%dma_start3A_204, %dma_start3A_205] : memref<10112x32xbf16, #tpu.memory_space<vmem_shared>> -> memref<10112x32xbf16, #tpu.memory_space<vmem_shared>>
          tpu.enqueue_indirect_dma source(%arg21 : memref<256x32xbf16, #tpu.memory_space<vmem>>) target(%dma_start3A_206 : memref<10112x32xbf16, #tpu.memory_space<vmem_shared>>) offsets(%dma_start3A_203 : memref<256xi32, #tpu.memory_space<vmem>>) semaphore(%run_scoped3A : memref<!tpu.dma_semaphore, #tpu.memory_space<semaphore_mem>>) {add = true}
          %dma_wait3A_207 = arith.constant 0 : i32
          %dma_wait3A_208 = tpu.memref_slice %arg11[%add3A_195, %dma_wait3A_207] : memref<72x256xi32, #tpu.memory_space<vmem>> -> memref<1x256xi32, #tpu.memory_space<vmem>>
          %dma_wait3A_209 = tpu.memref_squeeze %dma_wait3A_208 : memref<1x256xi32, #tpu.memory_space<vmem>> -> memref<256xi32, #tpu.memory_space<vmem>>
          %dma_wait3A_210 = arith.constant 0 : i32
          %dma_wait3A_211 = arith.constant 0 : i32
          %dma_wait3A_212 = tpu.memref_slice %arg22[%dma_wait3A_210, %dma_wait3A_211] : memref<10112x32xbf16, #tpu.memory_space<vmem_shared>> -> memref<10112x32xbf16, #tpu.memory_space<vmem_shared>>
          tpu.wait_indirect_dma semaphore(%run_scoped3A : memref<!tpu.dma_semaphore, #tpu.memory_space<semaphore_mem>>) src(%arg21 : memref<256x32xbf16, #tpu.memory_space<vmem>>) dst(%dma_wait3A_212 : memref<10112x32xbf16, #tpu.memory_space<vmem_shared>>)
          tpu.yield
        }) : () -> ()
        %lt3A_196 = arith.constant 3 : i32
        %lt3A_197 = arith.cmpi slt, %scan3A_171, %lt3A_196 : i32
        %convert_element_type3A_198 = arith.extui %lt3A_197 : i1 to i32
        %cond3A_199 = arith.constant 0 : i32
        %cond3A_200 = arith.cmpi ne, %convert_element_type3A_198, %cond3A_199 : i32
        scf.if %cond3A_200 {
          %add3A_201 = arith.constant 3 : i32
          %add3A_202 = arith.addi %mul3A_173, %add3A_201 : i32
          %dma_start3A_203 = arith.constant 0 : i32
          %dma_start3A_204 = tpu.memref_slice %arg10[%add3A_202, %dma_start3A_203] : memref<72x256xi32, #tpu.memory_space<vmem>> -> memref<1x256xi32, #tpu.memory_space<vmem>>
          %dma_start3A_205 = tpu.memref_squeeze %dma_start3A_204 : memref<1x256xi32, #tpu.memory_space<vmem>> -> memref<256xi32, #tpu.memory_space<vmem>>
          %dma_start3A_206 = arith.constant 0 : i32
          %dma_start3A_207 = arith.constant 0 : i32
          %dma_start3A_208 = tpu.memref_slice %arg2[%dma_start3A_206, %dma_start3A_207] : memref<10112x128xbf16, #tpu.memory_space<hbm>> -> memref<10112x128xbf16, #tpu.memory_space<hbm>>
          tpu.enqueue_indirect_dma source(%dma_start3A_208 : memref<10112x128xbf16, #tpu.memory_space<hbm>>) target(%arg13 : memref<256x128xbf16, #tpu.memory_space<vmem>>) offsets(%dma_start3A_205 : memref<256xi32, #tpu.memory_space<vmem>>) semaphore(%arg16 : memref<!tpu.dma_semaphore, #tpu.memory_space<semaphore_mem>>)
        } else {
        }
      }
      %scan3A_170 = arith.constant 4 : i32
    } else {
    }
    %barrier3A_65 = arith.constant 0 : index
    tpu.barrier barrier_id(%barrier3A_65)
    %add3A_66 = arith.constant 0 : i32
    %add3A_67 = arith.addi %mul3A_0, %add3A_66 : i32
    %add3A_68 = arith.constant 0 : i32
    %add3A_69 = arith.addi %mul3A_0, %add3A_68 : i32
    %dma_start3A_70 = arith.constant 0 : i32
    %dma_start3A_71 = tpu.memref_slice %arg8[%arg0, %add3A_69, %dma_start3A_70] : memref<2x10112x128xbf16, #tpu.memory_space<hbm>> -> memref<1x160x128xbf16, #tpu.memory_space<hbm>>
    %dma_start3A_72 = tpu.memref_squeeze %dma_start3A_71 : memref<1x160x128xbf16, #tpu.memory_space<hbm>> -> memref<160x128xbf16, #tpu.memory_space<hbm>>
    %dma_start3A_73 = arith.constant 0 : i32
    %dma_start3A_74 = tpu.memref_slice %arg14[%add3A_67, %dma_start3A_73] : memref<10112x128xbf16, #tpu.memory_space<vmem_shared>> -> memref<160x128xbf16, #tpu.memory_space<vmem_shared>>
    tpu.enqueue_dma source(%dma_start3A_74 : memref<160x128xbf16, #tpu.memory_space<vmem_shared>>) target(%dma_start3A_72 : memref<160x128xbf16, #tpu.memory_space<hbm>>) target_semaphore(%arg15 : memref<!tpu.dma_semaphore, #tpu.memory_space<semaphore_mem>>)
    %add3A_75 = arith.constant 160 : i32
    %add3A_76 = arith.addi %mul3A_0, %add3A_75 : i32
    %add3A_77 = arith.constant 160 : i32
    %add3A_78 = arith.addi %mul3A_0, %add3A_77 : i32
    %dma_start3A_79 = arith.constant 0 : i32
    %dma_start3A_80 = tpu.memref_slice %arg8[%arg0, %add3A_78, %dma_start3A_79] : memref<2x10112x128xbf16, #tpu.memory_space<hbm>> -> memref<1x160x128xbf16, #tpu.memory_space<hbm>>
    %dma_start3A_81 = tpu.memref_squeeze %dma_start3A_80 : memref<1x160x128xbf16, #tpu.memory_space<hbm>> -> memref<160x128xbf16, #tpu.memory_space<hbm>>
    %dma_start3A_82 = arith.constant 0 : i32
    %dma_start3A_83 = tpu.memref_slice %arg14[%add3A_76, %dma_start3A_82] : memref<10112x128xbf16, #tpu.memory_space<vmem_shared>> -> memref<160x128xbf16, #tpu.memory_space<vmem_shared>>
    tpu.enqueue_dma source(%dma_start3A_83 : memref<160x128xbf16, #tpu.memory_space<vmem_shared>>) target(%dma_start3A_81 : memref<160x128xbf16, #tpu.memory_space<hbm>>) target_semaphore(%arg16 : memref<!tpu.dma_semaphore, #tpu.memory_space<semaphore_mem>>)
    %add3A_84 = arith.constant 320 : i32
    %add3A_85 = arith.addi %mul3A_0, %add3A_84 : i32
    %add3A_86 = arith.constant 320 : i32
    %add3A_87 = arith.addi %mul3A_0, %add3A_86 : i32
    %dma_start3A_88 = arith.constant 0 : i32
    %dma_start3A_89 = tpu.memref_slice %arg8[%arg0, %add3A_87, %dma_start3A_88] : memref<2x10112x128xbf16, #tpu.memory_space<hbm>> -> memref<1x160x128xbf16, #tpu.memory_space<hbm>>
    %dma_start3A_90 = tpu.memref_squeeze %dma_start3A_89 : memref<1x160x128xbf16, #tpu.memory_space<hbm>> -> memref<160x128xbf16, #tpu.memory_space<hbm>>
    %dma_start3A_91 = arith.constant 0 : i32
    %dma_start3A_92 = tpu.memref_slice %arg14[%add3A_85, %dma_start3A_91] : memref<10112x128xbf16, #tpu.memory_space<vmem_shared>> -> memref<160x128xbf16, #tpu.memory_space<vmem_shared>>
    tpu.enqueue_dma source(%dma_start3A_92 : memref<160x128xbf16, #tpu.memory_space<vmem_shared>>) target(%dma_start3A_90 : memref<160x128xbf16, #tpu.memory_space<hbm>>) target_semaphore(%arg17 : memref<!tpu.dma_semaphore, #tpu.memory_space<semaphore_mem>>)
    %add3A_93 = arith.constant 480 : i32
    %add3A_94 = arith.addi %mul3A_0, %add3A_93 : i32
    %add3A_95 = arith.constant 480 : i32
    %add3A_96 = arith.addi %mul3A_0, %add3A_95 : i32
    %dma_start3A_97 = arith.constant 0 : i32
    %dma_start3A_98 = tpu.memref_slice %arg8[%arg0, %add3A_96, %dma_start3A_97] : memref<2x10112x128xbf16, #tpu.memory_space<hbm>> -> memref<1x152x128xbf16, #tpu.memory_space<hbm>>
    %dma_start3A_99 = tpu.memref_squeeze %dma_start3A_98 : memref<1x152x128xbf16, #tpu.memory_space<hbm>> -> memref<152x128xbf16, #tpu.memory_space<hbm>>
    %dma_start3A_100 = arith.constant 0 : i32
    %dma_start3A_101 = tpu.memref_slice %arg14[%add3A_94, %dma_start3A_100] : memref<10112x128xbf16, #tpu.memory_space<vmem_shared>> -> memref<152x128xbf16, #tpu.memory_space<vmem_shared>>
    tpu.enqueue_dma source(%dma_start3A_101 : memref<152x128xbf16, #tpu.memory_space<vmem_shared>>) target(%dma_start3A_99 : memref<152x128xbf16, #tpu.memory_space<hbm>>) target_semaphore(%arg18 : memref<!tpu.dma_semaphore, #tpu.memory_space<semaphore_mem>>)
    %dma_start3A_102 = arith.constant 0 : i32
    %dma_start3A_103 = tpu.memref_slice %arg9[%arg0, %mul3A_0, %dma_start3A_102] : memref<2x10112x32xbf16, #tpu.memory_space<hbm>> -> memref<1x632x32xbf16, #tpu.memory_space<hbm>>
    %dma_start3A_104 = tpu.memref_squeeze %dma_start3A_103 : memref<1x632x32xbf16, #tpu.memory_space<hbm>> -> memref<632x32xbf16, #tpu.memory_space<hbm>>
    %dma_start3A_105 = arith.constant 0 : i32
    %dma_start3A_106 = tpu.memref_slice %arg22[%mul3A_0, %dma_start3A_105] : memref<10112x32xbf16, #tpu.memory_space<vmem_shared>> -> memref<632x32xbf16, #tpu.memory_space<vmem_shared>>
    tpu.enqueue_dma source(%dma_start3A_106 : memref<632x32xbf16, #tpu.memory_space<vmem_shared>>) target(%dma_start3A_104 : memref<632x32xbf16, #tpu.memory_space<hbm>>) target_semaphore(%arg19 : memref<!tpu.dma_semaphore, #tpu.memory_space<semaphore_mem>>)
    %add3A_107 = arith.constant 0 : i32
    %add3A_108 = arith.addi %mul3A_0, %add3A_107 : i32
    %add3A_109 = arith.constant 0 : i32
    %add3A_110 = arith.addi %mul3A_0, %add3A_109 : i32
    %dma_wait3A_111 = arith.constant 0 : i32
    %dma_wait3A_112 = tpu.memref_slice %arg8[%arg0, %add3A_110, %dma_wait3A_111] : memref<2x10112x128xbf16, #tpu.memory_space<hbm>> -> memref<1x160x128xbf16, #tpu.memory_space<hbm>>
    %dma_wait3A_113 = tpu.memref_squeeze %dma_wait3A_112 : memref<1x160x128xbf16, #tpu.memory_space<hbm>> -> memref<160x128xbf16, #tpu.memory_space<hbm>>
    %dma_wait3A_114 = arith.constant 0 : i32
    %dma_wait3A_115 = tpu.memref_slice %arg14[%add3A_108, %dma_wait3A_114] : memref<10112x128xbf16, #tpu.memory_space<vmem_shared>> -> memref<160x128xbf16, #tpu.memory_space<vmem_shared>>
    tpu.wait_dma2 semaphore(%arg15 : memref<!tpu.dma_semaphore, #tpu.memory_space<semaphore_mem>>) src(%dma_wait3A_115 : memref<160x128xbf16, #tpu.memory_space<vmem_shared>>) dst(%dma_wait3A_113 : memref<160x128xbf16, #tpu.memory_space<hbm>>)
    %add3A_116 = arith.constant 160 : i32
    %add3A_117 = arith.addi %mul3A_0, %add3A_116 : i32
    %add3A_118 = arith.constant 160 : i32
    %add3A_119 = arith.addi %mul3A_0, %add3A_118 : i32
    %dma_wait3A_120 = arith.constant 0 : i32
    %dma_wait3A_121 = tpu.memref_slice %arg8[%arg0, %add3A_119, %dma_wait3A_120] : memref<2x10112x128xbf16, #tpu.memory_space<hbm>> -> memref<1x160x128xbf16, #tpu.memory_space<hbm>>
    %dma_wait3A_122 = tpu.memref_squeeze %dma_wait3A_121 : memref<1x160x128xbf16, #tpu.memory_space<hbm>> -> memref<160x128xbf16, #tpu.memory_space<hbm>>
    %dma_wait3A_123 = arith.constant 0 : i32
    %dma_wait3A_124 = tpu.memref_slice %arg14[%add3A_117, %dma_wait3A_123] : memref<10112x128xbf16, #tpu.memory_space<vmem_shared>> -> memref<160x128xbf16, #tpu.memory_space<vmem_shared>>
    tpu.wait_dma2 semaphore(%arg16 : memref<!tpu.dma_semaphore, #tpu.memory_space<semaphore_mem>>) src(%dma_wait3A_124 : memref<160x128xbf16, #tpu.memory_space<vmem_shared>>) dst(%dma_wait3A_122 : memref<160x128xbf16, #tpu.memory_space<hbm>>)
    %add3A_125 = arith.constant 320 : i32
    %add3A_126 = arith.addi %mul3A_0, %add3A_125 : i32
    %add3A_127 = arith.constant 320 : i32
    %add3A_128 = arith.addi %mul3A_0, %add3A_127 : i32
    %dma_wait3A_129 = arith.constant 0 : i32
    %dma_wait3A_130 = tpu.memref_slice %arg8[%arg0, %add3A_128, %dma_wait3A_129] : memref<2x10112x128xbf16, #tpu.memory_space<hbm>> -> memref<1x160x128xbf16, #tpu.memory_space<hbm>>
    %dma_wait3A_131 = tpu.memref_squeeze %dma_wait3A_130 : memref<1x160x128xbf16, #tpu.memory_space<hbm>> -> memref<160x128xbf16, #tpu.memory_space<hbm>>
    %dma_wait3A_132 = arith.constant 0 : i32
    %dma_wait3A_133 = tpu.memref_slice %arg14[%add3A_126, %dma_wait3A_132] : memref<10112x128xbf16, #tpu.memory_space<vmem_shared>> -> memref<160x128xbf16, #tpu.memory_space<vmem_shared>>
    tpu.wait_dma2 semaphore(%arg17 : memref<!tpu.dma_semaphore, #tpu.memory_space<semaphore_mem>>) src(%dma_wait3A_133 : memref<160x128xbf16, #tpu.memory_space<vmem_shared>>) dst(%dma_wait3A_131 : memref<160x128xbf16, #tpu.memory_space<hbm>>)
    %add3A_134 = arith.constant 480 : i32
    %add3A_135 = arith.addi %mul3A_0, %add3A_134 : i32
    %add3A_136 = arith.constant 480 : i32
    %add3A_137 = arith.addi %mul3A_0, %add3A_136 : i32
    %dma_wait3A_138 = arith.constant 0 : i32
    %dma_wait3A_139 = tpu.memref_slice %arg8[%arg0, %add3A_137, %dma_wait3A_138] : memref<2x10112x128xbf16, #tpu.memory_space<hbm>> -> memref<1x152x128xbf16, #tpu.memory_space<hbm>>
    %dma_wait3A_140 = tpu.memref_squeeze %dma_wait3A_139 : memref<1x152x128xbf16, #tpu.memory_space<hbm>> -> memref<152x128xbf16, #tpu.memory_space<hbm>>
    %dma_wait3A_141 = arith.constant 0 : i32
    %dma_wait3A_142 = tpu.memref_slice %arg14[%add3A_135, %dma_wait3A_141] : memref<10112x128xbf16, #tpu.memory_space<vmem_shared>> -> memref<152x128xbf16, #tpu.memory_space<vmem_shared>>
    tpu.wait_dma2 semaphore(%arg18 : memref<!tpu.dma_semaphore, #tpu.memory_space<semaphore_mem>>) src(%dma_wait3A_142 : memref<152x128xbf16, #tpu.memory_space<vmem_shared>>) dst(%dma_wait3A_140 : memref<152x128xbf16, #tpu.memory_space<hbm>>)
    %dma_wait3A_143 = arith.constant 0 : i32
    %dma_wait3A_144 = tpu.memref_slice %arg9[%arg0, %mul3A_0, %dma_wait3A_143] : memref<2x10112x32xbf16, #tpu.memory_space<hbm>> -> memref<1x632x32xbf16, #tpu.memory_space<hbm>>
    %dma_wait3A_145 = tpu.memref_squeeze %dma_wait3A_144 : memref<1x632x32xbf16, #tpu.memory_space<hbm>> -> memref<632x32xbf16, #tpu.memory_space<hbm>>
    %dma_wait3A_146 = arith.constant 0 : i32
    %dma_wait3A_147 = tpu.memref_slice %arg22[%mul3A_0, %dma_wait3A_146] : memref<10112x32xbf16, #tpu.memory_space<vmem_shared>> -> memref<632x32xbf16, #tpu.memory_space<vmem_shared>>
    tpu.wait_dma2 semaphore(%arg19 : memref<!tpu.dma_semaphore, #tpu.memory_space<semaphore_mem>>) src(%dma_wait3A_147 : memref<632x32xbf16, #tpu.memory_space<vmem_shared>>) dst(%dma_wait3A_145 : memref<632x32xbf16, #tpu.memory_space<hbm>>)
    return
  }
}

#map = affine_map<(d0, d1) -> (0, 0)>
#map1 = affine_map<(d0, d1) -> (0, 0, 0)>
module attributes {stable_mosaic.version = 14 : i64} {
  func.func @segsum(%arg0: i32, %arg1: i32, %arg2: memref<10112x64xbf16, #tpu.memory_space<hbm>>, %arg3: memref<1280x256xi32, #tpu.memory_space<hbm>>, %arg4: memref<1280x256xi32, #tpu.memory_space<hbm>>, %arg5: memref<632x64xbf16, #tpu.memory_space<hbm>>, %arg6: memref<2x10112x64xbf16, #tpu.memory_space<hbm>>, %arg7: memref<72x256xi32, #tpu.memory_space<vmem>>, %arg8: memref<72x256xi32, #tpu.memory_space<vmem>>, %arg9: memref<256x64xbf16, #tpu.memory_space<vmem>>, %arg10: memref<256x64xbf16, #tpu.memory_space<vmem>>, %arg11: memref<10112x64xbf16, #tpu.memory_space<vmem_shared>>, %arg12: memref<!tpu.dma_semaphore, #tpu.memory_space<semaphore_mem>>, %arg13: memref<!tpu.dma_semaphore, #tpu.memory_space<semaphore_mem>>, %arg14: memref<!tpu.dma_semaphore, #tpu.memory_space<semaphore_mem>>, %arg15: memref<!tpu.dma_semaphore, #tpu.memory_space<semaphore_mem>>, %arg16: memref<!tpu.dma_semaphore, #tpu.memory_space<semaphore_mem>>, %arg17: memref<!tpu.dma_semaphore, #tpu.memory_space<semaphore_mem>>) attributes {dimension_semantics = [#tpu.dimension_semantics<core_parallel>, #tpu.dimension_semantics<subcore_parallel>], iteration_bounds = array<i64: 2, 16>, scalar_prefetch = 0 : i64, scratch_operands = 11 : i64, tpu.core_type = #tpu.core_type<sc_vector_subcore>, window_params = [{transform_indices = #map}, {transform_indices = #map}, {transform_indices = #map}, {transform_indices = #map}, {transform_indices = #map1}]} {
    %mul3A = arith.constant 632 : i32
    %mul3A_0 = arith.muli %arg1, %mul3A : i32
    %add3A = arith.constant 0 : i32
    %add3A_1 = arith.addi %mul3A_0, %add3A : i32
    %dma_start3A = arith.constant 0 : i32
    %dma_start3A_2 = tpu.memref_slice %arg11[%add3A_1, %dma_start3A] : memref<10112x64xbf16, #tpu.memory_space<vmem_shared>> -> memref<160x64xbf16, #tpu.memory_space<vmem_shared>>
    %dma_start3A_3 = arith.constant 0 : i32
    %dma_start3A_4 = arith.constant 0 : i32
    %dma_start3A_5 = tpu.memref_slice %arg5[%dma_start3A_3, %dma_start3A_4] : memref<632x64xbf16, #tpu.memory_space<hbm>> -> memref<160x64xbf16, #tpu.memory_space<hbm>>
    tpu.enqueue_dma source(%dma_start3A_5 : memref<160x64xbf16, #tpu.memory_space<hbm>>) target(%dma_start3A_2 : memref<160x64xbf16, #tpu.memory_space<vmem_shared>>) target_semaphore(%arg12 : memref<!tpu.dma_semaphore, #tpu.memory_space<semaphore_mem>>)
    %add3A_6 = arith.constant 160 : i32
    %add3A_7 = arith.addi %mul3A_0, %add3A_6 : i32
    %dma_start3A_8 = arith.constant 0 : i32
    %dma_start3A_9 = tpu.memref_slice %arg11[%add3A_7, %dma_start3A_8] : memref<10112x64xbf16, #tpu.memory_space<vmem_shared>> -> memref<160x64xbf16, #tpu.memory_space<vmem_shared>>
    %dma_start3A_10 = arith.constant 160 : i32
    %dma_start3A_11 = arith.constant 0 : i32
    %dma_start3A_12 = tpu.memref_slice %arg5[%dma_start3A_10, %dma_start3A_11] : memref<632x64xbf16, #tpu.memory_space<hbm>> -> memref<160x64xbf16, #tpu.memory_space<hbm>>
    tpu.enqueue_dma source(%dma_start3A_12 : memref<160x64xbf16, #tpu.memory_space<hbm>>) target(%dma_start3A_9 : memref<160x64xbf16, #tpu.memory_space<vmem_shared>>) target_semaphore(%arg13 : memref<!tpu.dma_semaphore, #tpu.memory_space<semaphore_mem>>)
    %add3A_13 = arith.constant 320 : i32
    %add3A_14 = arith.addi %mul3A_0, %add3A_13 : i32
    %dma_start3A_15 = arith.constant 0 : i32
    %dma_start3A_16 = tpu.memref_slice %arg11[%add3A_14, %dma_start3A_15] : memref<10112x64xbf16, #tpu.memory_space<vmem_shared>> -> memref<160x64xbf16, #tpu.memory_space<vmem_shared>>
    %dma_start3A_17 = arith.constant 320 : i32
    %dma_start3A_18 = arith.constant 0 : i32
    %dma_start3A_19 = tpu.memref_slice %arg5[%dma_start3A_17, %dma_start3A_18] : memref<632x64xbf16, #tpu.memory_space<hbm>> -> memref<160x64xbf16, #tpu.memory_space<hbm>>
    tpu.enqueue_dma source(%dma_start3A_19 : memref<160x64xbf16, #tpu.memory_space<hbm>>) target(%dma_start3A_16 : memref<160x64xbf16, #tpu.memory_space<vmem_shared>>) target_semaphore(%arg14 : memref<!tpu.dma_semaphore, #tpu.memory_space<semaphore_mem>>)
    %add3A_20 = arith.constant 480 : i32
    %add3A_21 = arith.addi %mul3A_0, %add3A_20 : i32
    %dma_start3A_22 = arith.constant 0 : i32
    %dma_start3A_23 = tpu.memref_slice %arg11[%add3A_21, %dma_start3A_22] : memref<10112x64xbf16, #tpu.memory_space<vmem_shared>> -> memref<152x64xbf16, #tpu.memory_space<vmem_shared>>
    %dma_start3A_24 = arith.constant 480 : i32
    %dma_start3A_25 = arith.constant 0 : i32
    %dma_start3A_26 = tpu.memref_slice %arg5[%dma_start3A_24, %dma_start3A_25] : memref<632x64xbf16, #tpu.memory_space<hbm>> -> memref<152x64xbf16, #tpu.memory_space<hbm>>
    tpu.enqueue_dma source(%dma_start3A_26 : memref<152x64xbf16, #tpu.memory_space<hbm>>) target(%dma_start3A_23 : memref<152x64xbf16, #tpu.memory_space<vmem_shared>>) target_semaphore(%arg15 : memref<!tpu.dma_semaphore, #tpu.memory_space<semaphore_mem>>)
    %add3A_27 = arith.constant 0 : i32
    %add3A_28 = arith.addi %mul3A_0, %add3A_27 : i32
    %dma_wait3A = arith.constant 0 : i32
    %dma_wait3A_29 = tpu.memref_slice %arg11[%add3A_28, %dma_wait3A] : memref<10112x64xbf16, #tpu.memory_space<vmem_shared>> -> memref<160x64xbf16, #tpu.memory_space<vmem_shared>>
    %dma_wait3A_30 = arith.constant 0 : i32
    %dma_wait3A_31 = arith.constant 0 : i32
    %dma_wait3A_32 = tpu.memref_slice %arg5[%dma_wait3A_30, %dma_wait3A_31] : memref<632x64xbf16, #tpu.memory_space<hbm>> -> memref<160x64xbf16, #tpu.memory_space<hbm>>
    tpu.wait_dma2 semaphore(%arg12 : memref<!tpu.dma_semaphore, #tpu.memory_space<semaphore_mem>>) src(%dma_wait3A_32 : memref<160x64xbf16, #tpu.memory_space<hbm>>) dst(%dma_wait3A_29 : memref<160x64xbf16, #tpu.memory_space<vmem_shared>>)
    %add3A_33 = arith.constant 160 : i32
    %add3A_34 = arith.addi %mul3A_0, %add3A_33 : i32
    %dma_wait3A_35 = arith.constant 0 : i32
    %dma_wait3A_36 = tpu.memref_slice %arg11[%add3A_34, %dma_wait3A_35] : memref<10112x64xbf16, #tpu.memory_space<vmem_shared>> -> memref<160x64xbf16, #tpu.memory_space<vmem_shared>>
    %dma_wait3A_37 = arith.constant 160 : i32
    %dma_wait3A_38 = arith.constant 0 : i32
    %dma_wait3A_39 = tpu.memref_slice %arg5[%dma_wait3A_37, %dma_wait3A_38] : memref<632x64xbf16, #tpu.memory_space<hbm>> -> memref<160x64xbf16, #tpu.memory_space<hbm>>
    tpu.wait_dma2 semaphore(%arg13 : memref<!tpu.dma_semaphore, #tpu.memory_space<semaphore_mem>>) src(%dma_wait3A_39 : memref<160x64xbf16, #tpu.memory_space<hbm>>) dst(%dma_wait3A_36 : memref<160x64xbf16, #tpu.memory_space<vmem_shared>>)
    %add3A_40 = arith.constant 320 : i32
    %add3A_41 = arith.addi %mul3A_0, %add3A_40 : i32
    %dma_wait3A_42 = arith.constant 0 : i32
    %dma_wait3A_43 = tpu.memref_slice %arg11[%add3A_41, %dma_wait3A_42] : memref<10112x64xbf16, #tpu.memory_space<vmem_shared>> -> memref<160x64xbf16, #tpu.memory_space<vmem_shared>>
    %dma_wait3A_44 = arith.constant 320 : i32
    %dma_wait3A_45 = arith.constant 0 : i32
    %dma_wait3A_46 = tpu.memref_slice %arg5[%dma_wait3A_44, %dma_wait3A_45] : memref<632x64xbf16, #tpu.memory_space<hbm>> -> memref<160x64xbf16, #tpu.memory_space<hbm>>
    tpu.wait_dma2 semaphore(%arg14 : memref<!tpu.dma_semaphore, #tpu.memory_space<semaphore_mem>>) src(%dma_wait3A_46 : memref<160x64xbf16, #tpu.memory_space<hbm>>) dst(%dma_wait3A_43 : memref<160x64xbf16, #tpu.memory_space<vmem_shared>>)
    %add3A_47 = arith.constant 480 : i32
    %add3A_48 = arith.addi %mul3A_0, %add3A_47 : i32
    %dma_wait3A_49 = arith.constant 0 : i32
    %dma_wait3A_50 = tpu.memref_slice %arg11[%add3A_48, %dma_wait3A_49] : memref<10112x64xbf16, #tpu.memory_space<vmem_shared>> -> memref<152x64xbf16, #tpu.memory_space<vmem_shared>>
    %dma_wait3A_51 = arith.constant 480 : i32
    %dma_wait3A_52 = arith.constant 0 : i32
    %dma_wait3A_53 = tpu.memref_slice %arg5[%dma_wait3A_51, %dma_wait3A_52] : memref<632x64xbf16, #tpu.memory_space<hbm>> -> memref<152x64xbf16, #tpu.memory_space<hbm>>
    tpu.wait_dma2 semaphore(%arg15 : memref<!tpu.dma_semaphore, #tpu.memory_space<semaphore_mem>>) src(%dma_wait3A_53 : memref<152x64xbf16, #tpu.memory_space<hbm>>) dst(%dma_wait3A_50 : memref<152x64xbf16, #tpu.memory_space<vmem_shared>>)
    %barrier3A = arith.constant 0 : index
    tpu.barrier barrier_id(%barrier3A)
    %eq3A = arith.constant 0 : i32
    %eq3A_54 = arith.cmpi eq, %arg0, %eq3A : i32
    %convert_element_type3A = arith.extui %eq3A_54 : i1 to i32
    %cond3A = arith.constant 0 : i32
    %cond3A_55 = arith.cmpi ne, %convert_element_type3A, %cond3A : i32
    scf.if %cond3A_55 {
      %mul3A_134 = arith.constant 72 : i32
      %mul3A_135 = arith.muli %arg1, %mul3A_134 : i32
      "tpu.region"() ({
        %run_scoped3A = tpu.sem_alloc : memref<!tpu.dma_semaphore, #tpu.memory_space<semaphore_mem>>
        %dma_start3A_155 = arith.constant 0 : i32
        %dma_start3A_156 = arith.constant 0 : i32
        %dma_start3A_157 = tpu.memref_slice %arg7[%dma_start3A_155, %dma_start3A_156] : memref<72x256xi32, #tpu.memory_space<vmem>> -> memref<72x256xi32, #tpu.memory_space<vmem>>
        %dma_start3A_158 = arith.constant 0 : i32
        %dma_start3A_159 = tpu.memref_slice %arg3[%mul3A_135, %dma_start3A_158] : memref<1280x256xi32, #tpu.memory_space<hbm>> -> memref<72x256xi32, #tpu.memory_space<hbm>>
        %dma_start3A_160 = arith.constant 0 : i32
        %dma_start3A_161 = arith.constant 0 : i32
        %dma_start3A_162 = tpu.memref_slice %arg7[%dma_start3A_160, %dma_start3A_161] : memref<72x256xi32, #tpu.memory_space<vmem>> -> memref<72x256xi32, #tpu.memory_space<vmem>>
        %dma_start3A_163 = arith.constant 0 : i32
        %dma_start3A_164 = tpu.memref_slice %arg3[%mul3A_135, %dma_start3A_163] : memref<1280x256xi32, #tpu.memory_space<hbm>> -> memref<72x256xi32, #tpu.memory_space<hbm>>
        tpu.enqueue_dma source(%dma_start3A_164 : memref<72x256xi32, #tpu.memory_space<hbm>>) target(%dma_start3A_162 : memref<72x256xi32, #tpu.memory_space<vmem>>) target_semaphore(%run_scoped3A : memref<!tpu.dma_semaphore, #tpu.memory_space<semaphore_mem>>)
        %dma_wait3A_165 = arith.constant 0 : i32
        %dma_wait3A_166 = arith.constant 0 : i32
        %dma_wait3A_167 = tpu.memref_slice %arg7[%dma_wait3A_165, %dma_wait3A_166] : memref<72x256xi32, #tpu.memory_space<vmem>> -> memref<72x256xi32, #tpu.memory_space<vmem>>
        %dma_wait3A_168 = arith.constant 0 : i32
        %dma_wait3A_169 = tpu.memref_slice %arg3[%mul3A_135, %dma_wait3A_168] : memref<1280x256xi32, #tpu.memory_space<hbm>> -> memref<72x256xi32, #tpu.memory_space<hbm>>
        %dma_wait3A_170 = arith.constant 0 : i32
        %dma_wait3A_171 = arith.constant 0 : i32
        %dma_wait3A_172 = tpu.memref_slice %arg7[%dma_wait3A_170, %dma_wait3A_171] : memref<72x256xi32, #tpu.memory_space<vmem>> -> memref<72x256xi32, #tpu.memory_space<vmem>>
        %dma_wait3A_173 = arith.constant 0 : i32
        %dma_wait3A_174 = tpu.memref_slice %arg3[%mul3A_135, %dma_wait3A_173] : memref<1280x256xi32, #tpu.memory_space<hbm>> -> memref<72x256xi32, #tpu.memory_space<hbm>>
        tpu.wait_dma2 semaphore(%run_scoped3A : memref<!tpu.dma_semaphore, #tpu.memory_space<semaphore_mem>>) src(%dma_wait3A_174 : memref<72x256xi32, #tpu.memory_space<hbm>>) dst(%dma_wait3A_172 : memref<72x256xi32, #tpu.memory_space<vmem>>)
        tpu.yield
      }) : () -> ()
      "tpu.region"() ({
        %run_scoped3A = tpu.sem_alloc : memref<!tpu.dma_semaphore, #tpu.memory_space<semaphore_mem>>
        %dma_start3A_155 = arith.constant 0 : i32
        %dma_start3A_156 = arith.constant 0 : i32
        %dma_start3A_157 = tpu.memref_slice %arg8[%dma_start3A_155, %dma_start3A_156] : memref<72x256xi32, #tpu.memory_space<vmem>> -> memref<72x256xi32, #tpu.memory_space<vmem>>
        %dma_start3A_158 = arith.constant 0 : i32
        %dma_start3A_159 = tpu.memref_slice %arg4[%mul3A_135, %dma_start3A_158] : memref<1280x256xi32, #tpu.memory_space<hbm>> -> memref<72x256xi32, #tpu.memory_space<hbm>>
        %dma_start3A_160 = arith.constant 0 : i32
        %dma_start3A_161 = arith.constant 0 : i32
        %dma_start3A_162 = tpu.memref_slice %arg8[%dma_start3A_160, %dma_start3A_161] : memref<72x256xi32, #tpu.memory_space<vmem>> -> memref<72x256xi32, #tpu.memory_space<vmem>>
        %dma_start3A_163 = arith.constant 0 : i32
        %dma_start3A_164 = tpu.memref_slice %arg4[%mul3A_135, %dma_start3A_163] : memref<1280x256xi32, #tpu.memory_space<hbm>> -> memref<72x256xi32, #tpu.memory_space<hbm>>
        tpu.enqueue_dma source(%dma_start3A_164 : memref<72x256xi32, #tpu.memory_space<hbm>>) target(%dma_start3A_162 : memref<72x256xi32, #tpu.memory_space<vmem>>) target_semaphore(%run_scoped3A : memref<!tpu.dma_semaphore, #tpu.memory_space<semaphore_mem>>)
        %dma_wait3A_165 = arith.constant 0 : i32
        %dma_wait3A_166 = arith.constant 0 : i32
        %dma_wait3A_167 = tpu.memref_slice %arg8[%dma_wait3A_165, %dma_wait3A_166] : memref<72x256xi32, #tpu.memory_space<vmem>> -> memref<72x256xi32, #tpu.memory_space<vmem>>
        %dma_wait3A_168 = arith.constant 0 : i32
        %dma_wait3A_169 = tpu.memref_slice %arg4[%mul3A_135, %dma_wait3A_168] : memref<1280x256xi32, #tpu.memory_space<hbm>> -> memref<72x256xi32, #tpu.memory_space<hbm>>
        %dma_wait3A_170 = arith.constant 0 : i32
        %dma_wait3A_171 = arith.constant 0 : i32
        %dma_wait3A_172 = tpu.memref_slice %arg8[%dma_wait3A_170, %dma_wait3A_171] : memref<72x256xi32, #tpu.memory_space<vmem>> -> memref<72x256xi32, #tpu.memory_space<vmem>>
        %dma_wait3A_173 = arith.constant 0 : i32
        %dma_wait3A_174 = tpu.memref_slice %arg4[%mul3A_135, %dma_wait3A_173] : memref<1280x256xi32, #tpu.memory_space<hbm>> -> memref<72x256xi32, #tpu.memory_space<hbm>>
        tpu.wait_dma2 semaphore(%run_scoped3A : memref<!tpu.dma_semaphore, #tpu.memory_space<semaphore_mem>>) src(%dma_wait3A_174 : memref<72x256xi32, #tpu.memory_space<hbm>>) dst(%dma_wait3A_172 : memref<72x256xi32, #tpu.memory_space<vmem>>)
        tpu.yield
      }) : () -> ()
      %dma_start3A_136 = arith.constant 0 : i32
      %dma_start3A_137 = arith.constant 0 : i32
      %dma_start3A_138 = tpu.memref_slice %arg7[%dma_start3A_136, %dma_start3A_137] : memref<72x256xi32, #tpu.memory_space<vmem>> -> memref<1x256xi32, #tpu.memory_space<vmem>>
      %dma_start3A_139 = tpu.memref_squeeze %dma_start3A_138 : memref<1x256xi32, #tpu.memory_space<vmem>> -> memref<256xi32, #tpu.memory_space<vmem>>
      %dma_start3A_140 = arith.constant 0 : i32
      %dma_start3A_141 = arith.constant 0 : i32
      %dma_start3A_142 = tpu.memref_slice %arg2[%dma_start3A_140, %dma_start3A_141] : memref<10112x64xbf16, #tpu.memory_space<hbm>> -> memref<10112x64xbf16, #tpu.memory_space<hbm>>
      tpu.enqueue_indirect_dma source(%dma_start3A_142 : memref<10112x64xbf16, #tpu.memory_space<hbm>>) target(%arg9 : memref<256x64xbf16, #tpu.memory_space<vmem>>) offsets(%dma_start3A_139 : memref<256xi32, #tpu.memory_space<vmem>>) semaphore(%arg12 : memref<!tpu.dma_semaphore, #tpu.memory_space<semaphore_mem>>)
      %dma_start3A_143 = arith.constant 1 : i32
      %dma_start3A_144 = arith.constant 0 : i32
      %dma_start3A_145 = tpu.memref_slice %arg7[%dma_start3A_143, %dma_start3A_144] : memref<72x256xi32, #tpu.memory_space<vmem>> -> memref<1x256xi32, #tpu.memory_space<vmem>>
      %dma_start3A_146 = tpu.memref_squeeze %dma_start3A_145 : memref<1x256xi32, #tpu.memory_space<vmem>> -> memref<256xi32, #tpu.memory_space<vmem>>
      %dma_start3A_147 = arith.constant 0 : i32
      %dma_start3A_148 = arith.constant 0 : i32
      %dma_start3A_149 = tpu.memref_slice %arg2[%dma_start3A_147, %dma_start3A_148] : memref<10112x64xbf16, #tpu.memory_space<hbm>> -> memref<10112x64xbf16, #tpu.memory_space<hbm>>
      tpu.enqueue_indirect_dma source(%dma_start3A_149 : memref<10112x64xbf16, #tpu.memory_space<hbm>>) target(%arg10 : memref<256x64xbf16, #tpu.memory_space<vmem>>) offsets(%dma_start3A_146 : memref<256xi32, #tpu.memory_space<vmem>>) semaphore(%arg13 : memref<!tpu.dma_semaphore, #tpu.memory_space<semaphore_mem>>)
      %scan3A = arith.constant 0 : i32
      %scan3A_150 = arith.constant 0 : i32
      %scan3A_151 = arith.constant 36 : i32
      %scan3A_152 = arith.addi %scan3A_150, %scan3A_151 : i32
      %scan3A_153 = arith.constant 1 : i32
      scf.for %scan3A_155 = %scan3A_150 to %scan3A_152 step %scan3A_153  : i32 {
        %mul3A_156 = arith.constant 2 : i32
        %mul3A_157 = arith.muli %mul3A_156, %scan3A_155 : i32
        %dma_wait3A_158 = arith.constant 0 : i32
        %dma_wait3A_159 = tpu.memref_slice %arg7[%mul3A_157, %dma_wait3A_158] : memref<72x256xi32, #tpu.memory_space<vmem>> -> memref<1x256xi32, #tpu.memory_space<vmem>>
        %dma_wait3A_160 = tpu.memref_squeeze %dma_wait3A_159 : memref<1x256xi32, #tpu.memory_space<vmem>> -> memref<256xi32, #tpu.memory_space<vmem>>
        %dma_wait3A_161 = arith.constant 0 : i32
        %dma_wait3A_162 = arith.constant 0 : i32
        %dma_wait3A_163 = tpu.memref_slice %arg2[%dma_wait3A_161, %dma_wait3A_162] : memref<10112x64xbf16, #tpu.memory_space<hbm>> -> memref<10112x64xbf16, #tpu.memory_space<hbm>>
        tpu.wait_indirect_dma semaphore(%arg12 : memref<!tpu.dma_semaphore, #tpu.memory_space<semaphore_mem>>) src(%dma_wait3A_163 : memref<10112x64xbf16, #tpu.memory_space<hbm>>) dst(%arg9 : memref<256x64xbf16, #tpu.memory_space<vmem>>)
        "tpu.region"() ({
          %run_scoped3A = tpu.sem_alloc : memref<!tpu.dma_semaphore, #tpu.memory_space<semaphore_mem>>
          %dma_start3A_183 = arith.constant 0 : i32
          %dma_start3A_184 = tpu.memref_slice %arg8[%mul3A_157, %dma_start3A_183] : memref<72x256xi32, #tpu.memory_space<vmem>> -> memref<1x256xi32, #tpu.memory_space<vmem>>
          %dma_start3A_185 = tpu.memref_squeeze %dma_start3A_184 : memref<1x256xi32, #tpu.memory_space<vmem>> -> memref<256xi32, #tpu.memory_space<vmem>>
          %dma_start3A_186 = arith.constant 0 : i32
          %dma_start3A_187 = arith.constant 0 : i32
          %dma_start3A_188 = tpu.memref_slice %arg11[%dma_start3A_186, %dma_start3A_187] : memref<10112x64xbf16, #tpu.memory_space<vmem_shared>> -> memref<10112x64xbf16, #tpu.memory_space<vmem_shared>>
          tpu.enqueue_indirect_dma source(%arg9 : memref<256x64xbf16, #tpu.memory_space<vmem>>) target(%dma_start3A_188 : memref<10112x64xbf16, #tpu.memory_space<vmem_shared>>) offsets(%dma_start3A_185 : memref<256xi32, #tpu.memory_space<vmem>>) semaphore(%run_scoped3A : memref<!tpu.dma_semaphore, #tpu.memory_space<semaphore_mem>>) {add = true}
          %dma_wait3A_189 = arith.constant 0 : i32
          %dma_wait3A_190 = tpu.memref_slice %arg8[%mul3A_157, %dma_wait3A_189] : memref<72x256xi32, #tpu.memory_space<vmem>> -> memref<1x256xi32, #tpu.memory_space<vmem>>
          %dma_wait3A_191 = tpu.memref_squeeze %dma_wait3A_190 : memref<1x256xi32, #tpu.memory_space<vmem>> -> memref<256xi32, #tpu.memory_space<vmem>>
          %dma_wait3A_192 = arith.constant 0 : i32
          %dma_wait3A_193 = arith.constant 0 : i32
          %dma_wait3A_194 = tpu.memref_slice %arg11[%dma_wait3A_192, %dma_wait3A_193] : memref<10112x64xbf16, #tpu.memory_space<vmem_shared>> -> memref<10112x64xbf16, #tpu.memory_space<vmem_shared>>
          tpu.wait_indirect_dma semaphore(%run_scoped3A : memref<!tpu.dma_semaphore, #tpu.memory_space<semaphore_mem>>) src(%arg9 : memref<256x64xbf16, #tpu.memory_space<vmem>>) dst(%dma_wait3A_194 : memref<10112x64xbf16, #tpu.memory_space<vmem_shared>>)
          tpu.yield
        }) : () -> ()
        %lt3A = arith.constant 35 : i32
        %lt3A_164 = arith.cmpi slt, %scan3A_155, %lt3A : i32
        %convert_element_type3A_165 = arith.extui %lt3A_164 : i1 to i32
        %cond3A_166 = arith.constant 0 : i32
        %cond3A_167 = arith.cmpi ne, %convert_element_type3A_165, %cond3A_166 : i32
        scf.if %cond3A_167 {
          %add3A_183 = arith.constant 2 : i32
          %add3A_184 = arith.addi %mul3A_157, %add3A_183 : i32
          %dma_start3A_185 = arith.constant 0 : i32
          %dma_start3A_186 = tpu.memref_slice %arg7[%add3A_184, %dma_start3A_185] : memref<72x256xi32, #tpu.memory_space<vmem>> -> memref<1x256xi32, #tpu.memory_space<vmem>>
          %dma_start3A_187 = tpu.memref_squeeze %dma_start3A_186 : memref<1x256xi32, #tpu.memory_space<vmem>> -> memref<256xi32, #tpu.memory_space<vmem>>
          %dma_start3A_188 = arith.constant 0 : i32
          %dma_start3A_189 = arith.constant 0 : i32
          %dma_start3A_190 = tpu.memref_slice %arg2[%dma_start3A_188, %dma_start3A_189] : memref<10112x64xbf16, #tpu.memory_space<hbm>> -> memref<10112x64xbf16, #tpu.memory_space<hbm>>
          tpu.enqueue_indirect_dma source(%dma_start3A_190 : memref<10112x64xbf16, #tpu.memory_space<hbm>>) target(%arg9 : memref<256x64xbf16, #tpu.memory_space<vmem>>) offsets(%dma_start3A_187 : memref<256xi32, #tpu.memory_space<vmem>>) semaphore(%arg12 : memref<!tpu.dma_semaphore, #tpu.memory_space<semaphore_mem>>)
        } else {
        }
        %add3A_168 = arith.constant 1 : i32
        %add3A_169 = arith.addi %mul3A_157, %add3A_168 : i32
        %dma_wait3A_170 = arith.constant 0 : i32
        %dma_wait3A_171 = tpu.memref_slice %arg7[%add3A_169, %dma_wait3A_170] : memref<72x256xi32, #tpu.memory_space<vmem>> -> memref<1x256xi32, #tpu.memory_space<vmem>>
        %dma_wait3A_172 = tpu.memref_squeeze %dma_wait3A_171 : memref<1x256xi32, #tpu.memory_space<vmem>> -> memref<256xi32, #tpu.memory_space<vmem>>
        %dma_wait3A_173 = arith.constant 0 : i32
        %dma_wait3A_174 = arith.constant 0 : i32
        %dma_wait3A_175 = tpu.memref_slice %arg2[%dma_wait3A_173, %dma_wait3A_174] : memref<10112x64xbf16, #tpu.memory_space<hbm>> -> memref<10112x64xbf16, #tpu.memory_space<hbm>>
        tpu.wait_indirect_dma semaphore(%arg13 : memref<!tpu.dma_semaphore, #tpu.memory_space<semaphore_mem>>) src(%dma_wait3A_175 : memref<10112x64xbf16, #tpu.memory_space<hbm>>) dst(%arg10 : memref<256x64xbf16, #tpu.memory_space<vmem>>)
        %add3A_176 = arith.constant 1 : i32
        %add3A_177 = arith.addi %mul3A_157, %add3A_176 : i32
        "tpu.region"() ({
          %run_scoped3A = tpu.sem_alloc : memref<!tpu.dma_semaphore, #tpu.memory_space<semaphore_mem>>
          %dma_start3A_183 = arith.constant 0 : i32
          %dma_start3A_184 = tpu.memref_slice %arg8[%add3A_177, %dma_start3A_183] : memref<72x256xi32, #tpu.memory_space<vmem>> -> memref<1x256xi32, #tpu.memory_space<vmem>>
          %dma_start3A_185 = tpu.memref_squeeze %dma_start3A_184 : memref<1x256xi32, #tpu.memory_space<vmem>> -> memref<256xi32, #tpu.memory_space<vmem>>
          %dma_start3A_186 = arith.constant 0 : i32
          %dma_start3A_187 = arith.constant 0 : i32
          %dma_start3A_188 = tpu.memref_slice %arg11[%dma_start3A_186, %dma_start3A_187] : memref<10112x64xbf16, #tpu.memory_space<vmem_shared>> -> memref<10112x64xbf16, #tpu.memory_space<vmem_shared>>
          tpu.enqueue_indirect_dma source(%arg10 : memref<256x64xbf16, #tpu.memory_space<vmem>>) target(%dma_start3A_188 : memref<10112x64xbf16, #tpu.memory_space<vmem_shared>>) offsets(%dma_start3A_185 : memref<256xi32, #tpu.memory_space<vmem>>) semaphore(%run_scoped3A : memref<!tpu.dma_semaphore, #tpu.memory_space<semaphore_mem>>) {add = true}
          %dma_wait3A_189 = arith.constant 0 : i32
          %dma_wait3A_190 = tpu.memref_slice %arg8[%add3A_177, %dma_wait3A_189] : memref<72x256xi32, #tpu.memory_space<vmem>> -> memref<1x256xi32, #tpu.memory_space<vmem>>
          %dma_wait3A_191 = tpu.memref_squeeze %dma_wait3A_190 : memref<1x256xi32, #tpu.memory_space<vmem>> -> memref<256xi32, #tpu.memory_space<vmem>>
          %dma_wait3A_192 = arith.constant 0 : i32
          %dma_wait3A_193 = arith.constant 0 : i32
          %dma_wait3A_194 = tpu.memref_slice %arg11[%dma_wait3A_192, %dma_wait3A_193] : memref<10112x64xbf16, #tpu.memory_space<vmem_shared>> -> memref<10112x64xbf16, #tpu.memory_space<vmem_shared>>
          tpu.wait_indirect_dma semaphore(%run_scoped3A : memref<!tpu.dma_semaphore, #tpu.memory_space<semaphore_mem>>) src(%arg10 : memref<256x64xbf16, #tpu.memory_space<vmem>>) dst(%dma_wait3A_194 : memref<10112x64xbf16, #tpu.memory_space<vmem_shared>>)
          tpu.yield
        }) : () -> ()
        %lt3A_178 = arith.constant 35 : i32
        %lt3A_179 = arith.cmpi slt, %scan3A_155, %lt3A_178 : i32
        %convert_element_type3A_180 = arith.extui %lt3A_179 : i1 to i32
        %cond3A_181 = arith.constant 0 : i32
        %cond3A_182 = arith.cmpi ne, %convert_element_type3A_180, %cond3A_181 : i32
        scf.if %cond3A_182 {
          %add3A_183 = arith.constant 3 : i32
          %add3A_184 = arith.addi %mul3A_157, %add3A_183 : i32
          %dma_start3A_185 = arith.constant 0 : i32
          %dma_start3A_186 = tpu.memref_slice %arg7[%add3A_184, %dma_start3A_185] : memref<72x256xi32, #tpu.memory_space<vmem>> -> memref<1x256xi32, #tpu.memory_space<vmem>>
          %dma_start3A_187 = tpu.memref_squeeze %dma_start3A_186 : memref<1x256xi32, #tpu.memory_space<vmem>> -> memref<256xi32, #tpu.memory_space<vmem>>
          %dma_start3A_188 = arith.constant 0 : i32
          %dma_start3A_189 = arith.constant 0 : i32
          %dma_start3A_190 = tpu.memref_slice %arg2[%dma_start3A_188, %dma_start3A_189] : memref<10112x64xbf16, #tpu.memory_space<hbm>> -> memref<10112x64xbf16, #tpu.memory_space<hbm>>
          tpu.enqueue_indirect_dma source(%dma_start3A_190 : memref<10112x64xbf16, #tpu.memory_space<hbm>>) target(%arg10 : memref<256x64xbf16, #tpu.memory_space<vmem>>) offsets(%dma_start3A_187 : memref<256xi32, #tpu.memory_space<vmem>>) semaphore(%arg13 : memref<!tpu.dma_semaphore, #tpu.memory_space<semaphore_mem>>)
        } else {
        }
      }
      %scan3A_154 = arith.constant 36 : i32
    } else {
    }
    %eq3A_56 = arith.constant 1 : i32
    %eq3A_57 = arith.cmpi eq, %arg0, %eq3A_56 : i32
    %convert_element_type3A_58 = arith.extui %eq3A_57 : i1 to i32
    %cond3A_59 = arith.constant 0 : i32
    %cond3A_60 = arith.cmpi ne, %convert_element_type3A_58, %cond3A_59 : i32
    scf.if %cond3A_60 {
      %mul3A_134 = arith.constant 8 : i32
      %mul3A_135 = arith.muli %arg1, %mul3A_134 : i32
      %add3A_136 = arith.constant 1152 : i32
      %add3A_137 = arith.addi %add3A_136, %mul3A_135 : i32
      "tpu.region"() ({
        %run_scoped3A = tpu.sem_alloc : memref<!tpu.dma_semaphore, #tpu.memory_space<semaphore_mem>>
        %dma_start3A_157 = arith.constant 0 : i32
        %dma_start3A_158 = arith.constant 0 : i32
        %dma_start3A_159 = tpu.memref_slice %arg7[%dma_start3A_157, %dma_start3A_158] : memref<72x256xi32, #tpu.memory_space<vmem>> -> memref<8x256xi32, #tpu.memory_space<vmem>>
        %dma_start3A_160 = arith.constant 0 : i32
        %dma_start3A_161 = tpu.memref_slice %arg3[%add3A_137, %dma_start3A_160] : memref<1280x256xi32, #tpu.memory_space<hbm>> -> memref<8x256xi32, #tpu.memory_space<hbm>>
        %dma_start3A_162 = arith.constant 0 : i32
        %dma_start3A_163 = arith.constant 0 : i32
        %dma_start3A_164 = tpu.memref_slice %arg7[%dma_start3A_162, %dma_start3A_163] : memref<72x256xi32, #tpu.memory_space<vmem>> -> memref<8x256xi32, #tpu.memory_space<vmem>>
        %dma_start3A_165 = arith.constant 0 : i32
        %dma_start3A_166 = tpu.memref_slice %arg3[%add3A_137, %dma_start3A_165] : memref<1280x256xi32, #tpu.memory_space<hbm>> -> memref<8x256xi32, #tpu.memory_space<hbm>>
        tpu.enqueue_dma source(%dma_start3A_166 : memref<8x256xi32, #tpu.memory_space<hbm>>) target(%dma_start3A_164 : memref<8x256xi32, #tpu.memory_space<vmem>>) target_semaphore(%run_scoped3A : memref<!tpu.dma_semaphore, #tpu.memory_space<semaphore_mem>>)
        %dma_wait3A_167 = arith.constant 0 : i32
        %dma_wait3A_168 = arith.constant 0 : i32
        %dma_wait3A_169 = tpu.memref_slice %arg7[%dma_wait3A_167, %dma_wait3A_168] : memref<72x256xi32, #tpu.memory_space<vmem>> -> memref<8x256xi32, #tpu.memory_space<vmem>>
        %dma_wait3A_170 = arith.constant 0 : i32
        %dma_wait3A_171 = tpu.memref_slice %arg3[%add3A_137, %dma_wait3A_170] : memref<1280x256xi32, #tpu.memory_space<hbm>> -> memref<8x256xi32, #tpu.memory_space<hbm>>
        %dma_wait3A_172 = arith.constant 0 : i32
        %dma_wait3A_173 = arith.constant 0 : i32
        %dma_wait3A_174 = tpu.memref_slice %arg7[%dma_wait3A_172, %dma_wait3A_173] : memref<72x256xi32, #tpu.memory_space<vmem>> -> memref<8x256xi32, #tpu.memory_space<vmem>>
        %dma_wait3A_175 = arith.constant 0 : i32
        %dma_wait3A_176 = tpu.memref_slice %arg3[%add3A_137, %dma_wait3A_175] : memref<1280x256xi32, #tpu.memory_space<hbm>> -> memref<8x256xi32, #tpu.memory_space<hbm>>
        tpu.wait_dma2 semaphore(%run_scoped3A : memref<!tpu.dma_semaphore, #tpu.memory_space<semaphore_mem>>) src(%dma_wait3A_176 : memref<8x256xi32, #tpu.memory_space<hbm>>) dst(%dma_wait3A_174 : memref<8x256xi32, #tpu.memory_space<vmem>>)
        tpu.yield
      }) : () -> ()
      "tpu.region"() ({
        %run_scoped3A = tpu.sem_alloc : memref<!tpu.dma_semaphore, #tpu.memory_space<semaphore_mem>>
        %dma_start3A_157 = arith.constant 0 : i32
        %dma_start3A_158 = arith.constant 0 : i32
        %dma_start3A_159 = tpu.memref_slice %arg8[%dma_start3A_157, %dma_start3A_158] : memref<72x256xi32, #tpu.memory_space<vmem>> -> memref<8x256xi32, #tpu.memory_space<vmem>>
        %dma_start3A_160 = arith.constant 0 : i32
        %dma_start3A_161 = tpu.memref_slice %arg4[%add3A_137, %dma_start3A_160] : memref<1280x256xi32, #tpu.memory_space<hbm>> -> memref<8x256xi32, #tpu.memory_space<hbm>>
        %dma_start3A_162 = arith.constant 0 : i32
        %dma_start3A_163 = arith.constant 0 : i32
        %dma_start3A_164 = tpu.memref_slice %arg8[%dma_start3A_162, %dma_start3A_163] : memref<72x256xi32, #tpu.memory_space<vmem>> -> memref<8x256xi32, #tpu.memory_space<vmem>>
        %dma_start3A_165 = arith.constant 0 : i32
        %dma_start3A_166 = tpu.memref_slice %arg4[%add3A_137, %dma_start3A_165] : memref<1280x256xi32, #tpu.memory_space<hbm>> -> memref<8x256xi32, #tpu.memory_space<hbm>>
        tpu.enqueue_dma source(%dma_start3A_166 : memref<8x256xi32, #tpu.memory_space<hbm>>) target(%dma_start3A_164 : memref<8x256xi32, #tpu.memory_space<vmem>>) target_semaphore(%run_scoped3A : memref<!tpu.dma_semaphore, #tpu.memory_space<semaphore_mem>>)
        %dma_wait3A_167 = arith.constant 0 : i32
        %dma_wait3A_168 = arith.constant 0 : i32
        %dma_wait3A_169 = tpu.memref_slice %arg8[%dma_wait3A_167, %dma_wait3A_168] : memref<72x256xi32, #tpu.memory_space<vmem>> -> memref<8x256xi32, #tpu.memory_space<vmem>>
        %dma_wait3A_170 = arith.constant 0 : i32
        %dma_wait3A_171 = tpu.memref_slice %arg4[%add3A_137, %dma_wait3A_170] : memref<1280x256xi32, #tpu.memory_space<hbm>> -> memref<8x256xi32, #tpu.memory_space<hbm>>
        %dma_wait3A_172 = arith.constant 0 : i32
        %dma_wait3A_173 = arith.constant 0 : i32
        %dma_wait3A_174 = tpu.memref_slice %arg8[%dma_wait3A_172, %dma_wait3A_173] : memref<72x256xi32, #tpu.memory_space<vmem>> -> memref<8x256xi32, #tpu.memory_space<vmem>>
        %dma_wait3A_175 = arith.constant 0 : i32
        %dma_wait3A_176 = tpu.memref_slice %arg4[%add3A_137, %dma_wait3A_175] : memref<1280x256xi32, #tpu.memory_space<hbm>> -> memref<8x256xi32, #tpu.memory_space<hbm>>
        tpu.wait_dma2 semaphore(%run_scoped3A : memref<!tpu.dma_semaphore, #tpu.memory_space<semaphore_mem>>) src(%dma_wait3A_176 : memref<8x256xi32, #tpu.memory_space<hbm>>) dst(%dma_wait3A_174 : memref<8x256xi32, #tpu.memory_space<vmem>>)
        tpu.yield
      }) : () -> ()
      %dma_start3A_138 = arith.constant 0 : i32
      %dma_start3A_139 = arith.constant 0 : i32
      %dma_start3A_140 = tpu.memref_slice %arg7[%dma_start3A_138, %dma_start3A_139] : memref<72x256xi32, #tpu.memory_space<vmem>> -> memref<1x256xi32, #tpu.memory_space<vmem>>
      %dma_start3A_141 = tpu.memref_squeeze %dma_start3A_140 : memref<1x256xi32, #tpu.memory_space<vmem>> -> memref<256xi32, #tpu.memory_space<vmem>>
      %dma_start3A_142 = arith.constant 0 : i32
      %dma_start3A_143 = arith.constant 0 : i32
      %dma_start3A_144 = tpu.memref_slice %arg2[%dma_start3A_142, %dma_start3A_143] : memref<10112x64xbf16, #tpu.memory_space<hbm>> -> memref<10112x64xbf16, #tpu.memory_space<hbm>>
      tpu.enqueue_indirect_dma source(%dma_start3A_144 : memref<10112x64xbf16, #tpu.memory_space<hbm>>) target(%arg9 : memref<256x64xbf16, #tpu.memory_space<vmem>>) offsets(%dma_start3A_141 : memref<256xi32, #tpu.memory_space<vmem>>) semaphore(%arg12 : memref<!tpu.dma_semaphore, #tpu.memory_space<semaphore_mem>>)
      %dma_start3A_145 = arith.constant 1 : i32
      %dma_start3A_146 = arith.constant 0 : i32
      %dma_start3A_147 = tpu.memref_slice %arg7[%dma_start3A_145, %dma_start3A_146] : memref<72x256xi32, #tpu.memory_space<vmem>> -> memref<1x256xi32, #tpu.memory_space<vmem>>
      %dma_start3A_148 = tpu.memref_squeeze %dma_start3A_147 : memref<1x256xi32, #tpu.memory_space<vmem>> -> memref<256xi32, #tpu.memory_space<vmem>>
      %dma_start3A_149 = arith.constant 0 : i32
      %dma_start3A_150 = arith.constant 0 : i32
      %dma_start3A_151 = tpu.memref_slice %arg2[%dma_start3A_149, %dma_start3A_150] : memref<10112x64xbf16, #tpu.memory_space<hbm>> -> memref<10112x64xbf16, #tpu.memory_space<hbm>>
      tpu.enqueue_indirect_dma source(%dma_start3A_151 : memref<10112x64xbf16, #tpu.memory_space<hbm>>) target(%arg10 : memref<256x64xbf16, #tpu.memory_space<vmem>>) offsets(%dma_start3A_148 : memref<256xi32, #tpu.memory_space<vmem>>) semaphore(%arg13 : memref<!tpu.dma_semaphore, #tpu.memory_space<semaphore_mem>>)
      %scan3A = arith.constant 0 : i32
      %scan3A_152 = arith.constant 0 : i32
      %scan3A_153 = arith.constant 4 : i32
      %scan3A_154 = arith.addi %scan3A_152, %scan3A_153 : i32
      %scan3A_155 = arith.constant 1 : i32
      scf.for %scan3A_157 = %scan3A_152 to %scan3A_154 step %scan3A_155  : i32 {
        %mul3A_158 = arith.constant 2 : i32
        %mul3A_159 = arith.muli %mul3A_158, %scan3A_157 : i32
        %dma_wait3A_160 = arith.constant 0 : i32
        %dma_wait3A_161 = tpu.memref_slice %arg7[%mul3A_159, %dma_wait3A_160] : memref<72x256xi32, #tpu.memory_space<vmem>> -> memref<1x256xi32, #tpu.memory_space<vmem>>
        %dma_wait3A_162 = tpu.memref_squeeze %dma_wait3A_161 : memref<1x256xi32, #tpu.memory_space<vmem>> -> memref<256xi32, #tpu.memory_space<vmem>>
        %dma_wait3A_163 = arith.constant 0 : i32
        %dma_wait3A_164 = arith.constant 0 : i32
        %dma_wait3A_165 = tpu.memref_slice %arg2[%dma_wait3A_163, %dma_wait3A_164] : memref<10112x64xbf16, #tpu.memory_space<hbm>> -> memref<10112x64xbf16, #tpu.memory_space<hbm>>
        tpu.wait_indirect_dma semaphore(%arg12 : memref<!tpu.dma_semaphore, #tpu.memory_space<semaphore_mem>>) src(%dma_wait3A_165 : memref<10112x64xbf16, #tpu.memory_space<hbm>>) dst(%arg9 : memref<256x64xbf16, #tpu.memory_space<vmem>>)
        "tpu.region"() ({
          %run_scoped3A = tpu.sem_alloc : memref<!tpu.dma_semaphore, #tpu.memory_space<semaphore_mem>>
          %dma_start3A_185 = arith.constant 0 : i32
          %dma_start3A_186 = tpu.memref_slice %arg8[%mul3A_159, %dma_start3A_185] : memref<72x256xi32, #tpu.memory_space<vmem>> -> memref<1x256xi32, #tpu.memory_space<vmem>>
          %dma_start3A_187 = tpu.memref_squeeze %dma_start3A_186 : memref<1x256xi32, #tpu.memory_space<vmem>> -> memref<256xi32, #tpu.memory_space<vmem>>
          %dma_start3A_188 = arith.constant 0 : i32
          %dma_start3A_189 = arith.constant 0 : i32
          %dma_start3A_190 = tpu.memref_slice %arg11[%dma_start3A_188, %dma_start3A_189] : memref<10112x64xbf16, #tpu.memory_space<vmem_shared>> -> memref<10112x64xbf16, #tpu.memory_space<vmem_shared>>
          tpu.enqueue_indirect_dma source(%arg9 : memref<256x64xbf16, #tpu.memory_space<vmem>>) target(%dma_start3A_190 : memref<10112x64xbf16, #tpu.memory_space<vmem_shared>>) offsets(%dma_start3A_187 : memref<256xi32, #tpu.memory_space<vmem>>) semaphore(%run_scoped3A : memref<!tpu.dma_semaphore, #tpu.memory_space<semaphore_mem>>) {add = true}
          %dma_wait3A_191 = arith.constant 0 : i32
          %dma_wait3A_192 = tpu.memref_slice %arg8[%mul3A_159, %dma_wait3A_191] : memref<72x256xi32, #tpu.memory_space<vmem>> -> memref<1x256xi32, #tpu.memory_space<vmem>>
          %dma_wait3A_193 = tpu.memref_squeeze %dma_wait3A_192 : memref<1x256xi32, #tpu.memory_space<vmem>> -> memref<256xi32, #tpu.memory_space<vmem>>
          %dma_wait3A_194 = arith.constant 0 : i32
          %dma_wait3A_195 = arith.constant 0 : i32
          %dma_wait3A_196 = tpu.memref_slice %arg11[%dma_wait3A_194, %dma_wait3A_195] : memref<10112x64xbf16, #tpu.memory_space<vmem_shared>> -> memref<10112x64xbf16, #tpu.memory_space<vmem_shared>>
          tpu.wait_indirect_dma semaphore(%run_scoped3A : memref<!tpu.dma_semaphore, #tpu.memory_space<semaphore_mem>>) src(%arg9 : memref<256x64xbf16, #tpu.memory_space<vmem>>) dst(%dma_wait3A_196 : memref<10112x64xbf16, #tpu.memory_space<vmem_shared>>)
          tpu.yield
        }) : () -> ()
        %lt3A = arith.constant 3 : i32
        %lt3A_166 = arith.cmpi slt, %scan3A_157, %lt3A : i32
        %convert_element_type3A_167 = arith.extui %lt3A_166 : i1 to i32
        %cond3A_168 = arith.constant 0 : i32
        %cond3A_169 = arith.cmpi ne, %convert_element_type3A_167, %cond3A_168 : i32
        scf.if %cond3A_169 {
          %add3A_185 = arith.constant 2 : i32
          %add3A_186 = arith.addi %mul3A_159, %add3A_185 : i32
          %dma_start3A_187 = arith.constant 0 : i32
          %dma_start3A_188 = tpu.memref_slice %arg7[%add3A_186, %dma_start3A_187] : memref<72x256xi32, #tpu.memory_space<vmem>> -> memref<1x256xi32, #tpu.memory_space<vmem>>
          %dma_start3A_189 = tpu.memref_squeeze %dma_start3A_188 : memref<1x256xi32, #tpu.memory_space<vmem>> -> memref<256xi32, #tpu.memory_space<vmem>>
          %dma_start3A_190 = arith.constant 0 : i32
          %dma_start3A_191 = arith.constant 0 : i32
          %dma_start3A_192 = tpu.memref_slice %arg2[%dma_start3A_190, %dma_start3A_191] : memref<10112x64xbf16, #tpu.memory_space<hbm>> -> memref<10112x64xbf16, #tpu.memory_space<hbm>>
          tpu.enqueue_indirect_dma source(%dma_start3A_192 : memref<10112x64xbf16, #tpu.memory_space<hbm>>) target(%arg9 : memref<256x64xbf16, #tpu.memory_space<vmem>>) offsets(%dma_start3A_189 : memref<256xi32, #tpu.memory_space<vmem>>) semaphore(%arg12 : memref<!tpu.dma_semaphore, #tpu.memory_space<semaphore_mem>>)
        } else {
        }
        %add3A_170 = arith.constant 1 : i32
        %add3A_171 = arith.addi %mul3A_159, %add3A_170 : i32
        %dma_wait3A_172 = arith.constant 0 : i32
        %dma_wait3A_173 = tpu.memref_slice %arg7[%add3A_171, %dma_wait3A_172] : memref<72x256xi32, #tpu.memory_space<vmem>> -> memref<1x256xi32, #tpu.memory_space<vmem>>
        %dma_wait3A_174 = tpu.memref_squeeze %dma_wait3A_173 : memref<1x256xi32, #tpu.memory_space<vmem>> -> memref<256xi32, #tpu.memory_space<vmem>>
        %dma_wait3A_175 = arith.constant 0 : i32
        %dma_wait3A_176 = arith.constant 0 : i32
        %dma_wait3A_177 = tpu.memref_slice %arg2[%dma_wait3A_175, %dma_wait3A_176] : memref<10112x64xbf16, #tpu.memory_space<hbm>> -> memref<10112x64xbf16, #tpu.memory_space<hbm>>
        tpu.wait_indirect_dma semaphore(%arg13 : memref<!tpu.dma_semaphore, #tpu.memory_space<semaphore_mem>>) src(%dma_wait3A_177 : memref<10112x64xbf16, #tpu.memory_space<hbm>>) dst(%arg10 : memref<256x64xbf16, #tpu.memory_space<vmem>>)
        %add3A_178 = arith.constant 1 : i32
        %add3A_179 = arith.addi %mul3A_159, %add3A_178 : i32
        "tpu.region"() ({
          %run_scoped3A = tpu.sem_alloc : memref<!tpu.dma_semaphore, #tpu.memory_space<semaphore_mem>>
          %dma_start3A_185 = arith.constant 0 : i32
          %dma_start3A_186 = tpu.memref_slice %arg8[%add3A_179, %dma_start3A_185] : memref<72x256xi32, #tpu.memory_space<vmem>> -> memref<1x256xi32, #tpu.memory_space<vmem>>
          %dma_start3A_187 = tpu.memref_squeeze %dma_start3A_186 : memref<1x256xi32, #tpu.memory_space<vmem>> -> memref<256xi32, #tpu.memory_space<vmem>>
          %dma_start3A_188 = arith.constant 0 : i32
          %dma_start3A_189 = arith.constant 0 : i32
          %dma_start3A_190 = tpu.memref_slice %arg11[%dma_start3A_188, %dma_start3A_189] : memref<10112x64xbf16, #tpu.memory_space<vmem_shared>> -> memref<10112x64xbf16, #tpu.memory_space<vmem_shared>>
          tpu.enqueue_indirect_dma source(%arg10 : memref<256x64xbf16, #tpu.memory_space<vmem>>) target(%dma_start3A_190 : memref<10112x64xbf16, #tpu.memory_space<vmem_shared>>) offsets(%dma_start3A_187 : memref<256xi32, #tpu.memory_space<vmem>>) semaphore(%run_scoped3A : memref<!tpu.dma_semaphore, #tpu.memory_space<semaphore_mem>>) {add = true}
          %dma_wait3A_191 = arith.constant 0 : i32
          %dma_wait3A_192 = tpu.memref_slice %arg8[%add3A_179, %dma_wait3A_191] : memref<72x256xi32, #tpu.memory_space<vmem>> -> memref<1x256xi32, #tpu.memory_space<vmem>>
          %dma_wait3A_193 = tpu.memref_squeeze %dma_wait3A_192 : memref<1x256xi32, #tpu.memory_space<vmem>> -> memref<256xi32, #tpu.memory_space<vmem>>
          %dma_wait3A_194 = arith.constant 0 : i32
          %dma_wait3A_195 = arith.constant 0 : i32
          %dma_wait3A_196 = tpu.memref_slice %arg11[%dma_wait3A_194, %dma_wait3A_195] : memref<10112x64xbf16, #tpu.memory_space<vmem_shared>> -> memref<10112x64xbf16, #tpu.memory_space<vmem_shared>>
          tpu.wait_indirect_dma semaphore(%run_scoped3A : memref<!tpu.dma_semaphore, #tpu.memory_space<semaphore_mem>>) src(%arg10 : memref<256x64xbf16, #tpu.memory_space<vmem>>) dst(%dma_wait3A_196 : memref<10112x64xbf16, #tpu.memory_space<vmem_shared>>)
          tpu.yield
        }) : () -> ()
        %lt3A_180 = arith.constant 3 : i32
        %lt3A_181 = arith.cmpi slt, %scan3A_157, %lt3A_180 : i32
        %convert_element_type3A_182 = arith.extui %lt3A_181 : i1 to i32
        %cond3A_183 = arith.constant 0 : i32
        %cond3A_184 = arith.cmpi ne, %convert_element_type3A_182, %cond3A_183 : i32
        scf.if %cond3A_184 {
          %add3A_185 = arith.constant 3 : i32
          %add3A_186 = arith.addi %mul3A_159, %add3A_185 : i32
          %dma_start3A_187 = arith.constant 0 : i32
          %dma_start3A_188 = tpu.memref_slice %arg7[%add3A_186, %dma_start3A_187] : memref<72x256xi32, #tpu.memory_space<vmem>> -> memref<1x256xi32, #tpu.memory_space<vmem>>
          %dma_start3A_189 = tpu.memref_squeeze %dma_start3A_188 : memref<1x256xi32, #tpu.memory_space<vmem>> -> memref<256xi32, #tpu.memory_space<vmem>>
          %dma_start3A_190 = arith.constant 0 : i32
          %dma_start3A_191 = arith.constant 0 : i32
          %dma_start3A_192 = tpu.memref_slice %arg2[%dma_start3A_190, %dma_start3A_191] : memref<10112x64xbf16, #tpu.memory_space<hbm>> -> memref<10112x64xbf16, #tpu.memory_space<hbm>>
          tpu.enqueue_indirect_dma source(%dma_start3A_192 : memref<10112x64xbf16, #tpu.memory_space<hbm>>) target(%arg10 : memref<256x64xbf16, #tpu.memory_space<vmem>>) offsets(%dma_start3A_189 : memref<256xi32, #tpu.memory_space<vmem>>) semaphore(%arg13 : memref<!tpu.dma_semaphore, #tpu.memory_space<semaphore_mem>>)
        } else {
        }
      }
      %scan3A_156 = arith.constant 4 : i32
    } else {
    }
    %barrier3A_61 = arith.constant 0 : index
    tpu.barrier barrier_id(%barrier3A_61)
    %add3A_62 = arith.constant 0 : i32
    %add3A_63 = arith.addi %mul3A_0, %add3A_62 : i32
    %add3A_64 = arith.constant 0 : i32
    %add3A_65 = arith.addi %mul3A_0, %add3A_64 : i32
    %dma_start3A_66 = arith.constant 0 : i32
    %dma_start3A_67 = tpu.memref_slice %arg6[%arg0, %add3A_65, %dma_start3A_66] : memref<2x10112x64xbf16, #tpu.memory_space<hbm>> -> memref<1x160x64xbf16, #tpu.memory_space<hbm>>
    %dma_start3A_68 = tpu.memref_squeeze %dma_start3A_67 : memref<1x160x64xbf16, #tpu.memory_space<hbm>> -> memref<160x64xbf16, #tpu.memory_space<hbm>>
    %dma_start3A_69 = arith.constant 0 : i32
    %dma_start3A_70 = tpu.memref_slice %arg11[%add3A_63, %dma_start3A_69] : memref<10112x64xbf16, #tpu.memory_space<vmem_shared>> -> memref<160x64xbf16, #tpu.memory_space<vmem_shared>>
    tpu.enqueue_dma source(%dma_start3A_70 : memref<160x64xbf16, #tpu.memory_space<vmem_shared>>) target(%dma_start3A_68 : memref<160x64xbf16, #tpu.memory_space<hbm>>) target_semaphore(%arg12 : memref<!tpu.dma_semaphore, #tpu.memory_space<semaphore_mem>>)
    %add3A_71 = arith.constant 160 : i32
    %add3A_72 = arith.addi %mul3A_0, %add3A_71 : i32
    %add3A_73 = arith.constant 160 : i32
    %add3A_74 = arith.addi %mul3A_0, %add3A_73 : i32
    %dma_start3A_75 = arith.constant 0 : i32
    %dma_start3A_76 = tpu.memref_slice %arg6[%arg0, %add3A_74, %dma_start3A_75] : memref<2x10112x64xbf16, #tpu.memory_space<hbm>> -> memref<1x160x64xbf16, #tpu.memory_space<hbm>>
    %dma_start3A_77 = tpu.memref_squeeze %dma_start3A_76 : memref<1x160x64xbf16, #tpu.memory_space<hbm>> -> memref<160x64xbf16, #tpu.memory_space<hbm>>
    %dma_start3A_78 = arith.constant 0 : i32
    %dma_start3A_79 = tpu.memref_slice %arg11[%add3A_72, %dma_start3A_78] : memref<10112x64xbf16, #tpu.memory_space<vmem_shared>> -> memref<160x64xbf16, #tpu.memory_space<vmem_shared>>
    tpu.enqueue_dma source(%dma_start3A_79 : memref<160x64xbf16, #tpu.memory_space<vmem_shared>>) target(%dma_start3A_77 : memref<160x64xbf16, #tpu.memory_space<hbm>>) target_semaphore(%arg13 : memref<!tpu.dma_semaphore, #tpu.memory_space<semaphore_mem>>)
    %add3A_80 = arith.constant 320 : i32
    %add3A_81 = arith.addi %mul3A_0, %add3A_80 : i32
    %add3A_82 = arith.constant 320 : i32
    %add3A_83 = arith.addi %mul3A_0, %add3A_82 : i32
    %dma_start3A_84 = arith.constant 0 : i32
    %dma_start3A_85 = tpu.memref_slice %arg6[%arg0, %add3A_83, %dma_start3A_84] : memref<2x10112x64xbf16, #tpu.memory_space<hbm>> -> memref<1x160x64xbf16, #tpu.memory_space<hbm>>
    %dma_start3A_86 = tpu.memref_squeeze %dma_start3A_85 : memref<1x160x64xbf16, #tpu.memory_space<hbm>> -> memref<160x64xbf16, #tpu.memory_space<hbm>>
    %dma_start3A_87 = arith.constant 0 : i32
    %dma_start3A_88 = tpu.memref_slice %arg11[%add3A_81, %dma_start3A_87] : memref<10112x64xbf16, #tpu.memory_space<vmem_shared>> -> memref<160x64xbf16, #tpu.memory_space<vmem_shared>>
    tpu.enqueue_dma source(%dma_start3A_88 : memref<160x64xbf16, #tpu.memory_space<vmem_shared>>) target(%dma_start3A_86 : memref<160x64xbf16, #tpu.memory_space<hbm>>) target_semaphore(%arg14 : memref<!tpu.dma_semaphore, #tpu.memory_space<semaphore_mem>>)
    %add3A_89 = arith.constant 480 : i32
    %add3A_90 = arith.addi %mul3A_0, %add3A_89 : i32
    %add3A_91 = arith.constant 480 : i32
    %add3A_92 = arith.addi %mul3A_0, %add3A_91 : i32
    %dma_start3A_93 = arith.constant 0 : i32
    %dma_start3A_94 = tpu.memref_slice %arg6[%arg0, %add3A_92, %dma_start3A_93] : memref<2x10112x64xbf16, #tpu.memory_space<hbm>> -> memref<1x152x64xbf16, #tpu.memory_space<hbm>>
    %dma_start3A_95 = tpu.memref_squeeze %dma_start3A_94 : memref<1x152x64xbf16, #tpu.memory_space<hbm>> -> memref<152x64xbf16, #tpu.memory_space<hbm>>
    %dma_start3A_96 = arith.constant 0 : i32
    %dma_start3A_97 = tpu.memref_slice %arg11[%add3A_90, %dma_start3A_96] : memref<10112x64xbf16, #tpu.memory_space<vmem_shared>> -> memref<152x64xbf16, #tpu.memory_space<vmem_shared>>
    tpu.enqueue_dma source(%dma_start3A_97 : memref<152x64xbf16, #tpu.memory_space<vmem_shared>>) target(%dma_start3A_95 : memref<152x64xbf16, #tpu.memory_space<hbm>>) target_semaphore(%arg15 : memref<!tpu.dma_semaphore, #tpu.memory_space<semaphore_mem>>)
    %add3A_98 = arith.constant 0 : i32
    %add3A_99 = arith.addi %mul3A_0, %add3A_98 : i32
    %add3A_100 = arith.constant 0 : i32
    %add3A_101 = arith.addi %mul3A_0, %add3A_100 : i32
    %dma_wait3A_102 = arith.constant 0 : i32
    %dma_wait3A_103 = tpu.memref_slice %arg6[%arg0, %add3A_101, %dma_wait3A_102] : memref<2x10112x64xbf16, #tpu.memory_space<hbm>> -> memref<1x160x64xbf16, #tpu.memory_space<hbm>>
    %dma_wait3A_104 = tpu.memref_squeeze %dma_wait3A_103 : memref<1x160x64xbf16, #tpu.memory_space<hbm>> -> memref<160x64xbf16, #tpu.memory_space<hbm>>
    %dma_wait3A_105 = arith.constant 0 : i32
    %dma_wait3A_106 = tpu.memref_slice %arg11[%add3A_99, %dma_wait3A_105] : memref<10112x64xbf16, #tpu.memory_space<vmem_shared>> -> memref<160x64xbf16, #tpu.memory_space<vmem_shared>>
    tpu.wait_dma2 semaphore(%arg12 : memref<!tpu.dma_semaphore, #tpu.memory_space<semaphore_mem>>) src(%dma_wait3A_106 : memref<160x64xbf16, #tpu.memory_space<vmem_shared>>) dst(%dma_wait3A_104 : memref<160x64xbf16, #tpu.memory_space<hbm>>)
    %add3A_107 = arith.constant 160 : i32
    %add3A_108 = arith.addi %mul3A_0, %add3A_107 : i32
    %add3A_109 = arith.constant 160 : i32
    %add3A_110 = arith.addi %mul3A_0, %add3A_109 : i32
    %dma_wait3A_111 = arith.constant 0 : i32
    %dma_wait3A_112 = tpu.memref_slice %arg6[%arg0, %add3A_110, %dma_wait3A_111] : memref<2x10112x64xbf16, #tpu.memory_space<hbm>> -> memref<1x160x64xbf16, #tpu.memory_space<hbm>>
    %dma_wait3A_113 = tpu.memref_squeeze %dma_wait3A_112 : memref<1x160x64xbf16, #tpu.memory_space<hbm>> -> memref<160x64xbf16, #tpu.memory_space<hbm>>
    %dma_wait3A_114 = arith.constant 0 : i32
    %dma_wait3A_115 = tpu.memref_slice %arg11[%add3A_108, %dma_wait3A_114] : memref<10112x64xbf16, #tpu.memory_space<vmem_shared>> -> memref<160x64xbf16, #tpu.memory_space<vmem_shared>>
    tpu.wait_dma2 semaphore(%arg13 : memref<!tpu.dma_semaphore, #tpu.memory_space<semaphore_mem>>) src(%dma_wait3A_115 : memref<160x64xbf16, #tpu.memory_space<vmem_shared>>) dst(%dma_wait3A_113 : memref<160x64xbf16, #tpu.memory_space<hbm>>)
    %add3A_116 = arith.constant 320 : i32
    %add3A_117 = arith.addi %mul3A_0, %add3A_116 : i32
    %add3A_118 = arith.constant 320 : i32
    %add3A_119 = arith.addi %mul3A_0, %add3A_118 : i32
    %dma_wait3A_120 = arith.constant 0 : i32
    %dma_wait3A_121 = tpu.memref_slice %arg6[%arg0, %add3A_119, %dma_wait3A_120] : memref<2x10112x64xbf16, #tpu.memory_space<hbm>> -> memref<1x160x64xbf16, #tpu.memory_space<hbm>>
    %dma_wait3A_122 = tpu.memref_squeeze %dma_wait3A_121 : memref<1x160x64xbf16, #tpu.memory_space<hbm>> -> memref<160x64xbf16, #tpu.memory_space<hbm>>
    %dma_wait3A_123 = arith.constant 0 : i32
    %dma_wait3A_124 = tpu.memref_slice %arg11[%add3A_117, %dma_wait3A_123] : memref<10112x64xbf16, #tpu.memory_space<vmem_shared>> -> memref<160x64xbf16, #tpu.memory_space<vmem_shared>>
    tpu.wait_dma2 semaphore(%arg14 : memref<!tpu.dma_semaphore, #tpu.memory_space<semaphore_mem>>) src(%dma_wait3A_124 : memref<160x64xbf16, #tpu.memory_space<vmem_shared>>) dst(%dma_wait3A_122 : memref<160x64xbf16, #tpu.memory_space<hbm>>)
    %add3A_125 = arith.constant 480 : i32
    %add3A_126 = arith.addi %mul3A_0, %add3A_125 : i32
    %add3A_127 = arith.constant 480 : i32
    %add3A_128 = arith.addi %mul3A_0, %add3A_127 : i32
    %dma_wait3A_129 = arith.constant 0 : i32
    %dma_wait3A_130 = tpu.memref_slice %arg6[%arg0, %add3A_128, %dma_wait3A_129] : memref<2x10112x64xbf16, #tpu.memory_space<hbm>> -> memref<1x152x64xbf16, #tpu.memory_space<hbm>>
    %dma_wait3A_131 = tpu.memref_squeeze %dma_wait3A_130 : memref<1x152x64xbf16, #tpu.memory_space<hbm>> -> memref<152x64xbf16, #tpu.memory_space<hbm>>
    %dma_wait3A_132 = arith.constant 0 : i32
    %dma_wait3A_133 = tpu.memref_slice %arg11[%add3A_126, %dma_wait3A_132] : memref<10112x64xbf16, #tpu.memory_space<vmem_shared>> -> memref<152x64xbf16, #tpu.memory_space<vmem_shared>>
    tpu.wait_dma2 semaphore(%arg15 : memref<!tpu.dma_semaphore, #tpu.memory_space<semaphore_mem>>) src(%dma_wait3A_133 : memref<152x64xbf16, #tpu.memory_space<vmem_shared>>) dst(%dma_wait3A_131 : memref<152x64xbf16, #tpu.memory_space<hbm>>)
    return
  }
}

module attributes {stable_mosaic.version = 14 : i64} {
  func.func @_tc1_body(%arg0: i32, %arg1: memref<1264x128xf32, #tpu.memory_space<vmem>>, %arg2: memref<128x256xf32, #tpu.memory_space<vmem>>, %arg3: memref<1264x128xbf16, #tpu.memory_space<vmem>>, %arg4: memref<1264x128xf32, #tpu.memory_space<vmem>>) attributes {dimension_semantics = [#tpu.dimension_semantics<arbitrary>], iteration_bounds = array<i64: 8>, scalar_prefetch = 0 : i64, scratch_operands = 0 : i64, tpu.core_type = #tpu.core_type<tc>, window_params = [{transform_indices = @transform_0, window_bounds = array<i64: 1264, 128>}, {pipeline_mode = #tpu.pipeline_mode<synchronous>, transform_indices = @transform_1, window_bounds = array<i64: 128, 256>}, {transform_indices = @transform_2, window_bounds = array<i64: 1264, 128>}, {transform_indices = @transform_3, window_bounds = array<i64: 1264, 128>}]} {
    %get3A = arith.constant 0 : index
    %get3A_0 = arith.constant 0 : index
    %get3A_1 = vector.load %arg1[%get3A, %get3A_0] : memref<1264x128xf32, #tpu.memory_space<vmem>>, vector<1264x128xf32>
    %get3A_2 = arith.constant 0 : index
    %get3A_3 = arith.constant 0 : index
    %get3A_4 = vector.load %arg2[%get3A_2, %get3A_3] : memref<128x256xf32, #tpu.memory_space<vmem>>, vector<128x256xf32>
    %dot_general3A = arith.constant dense<0.000000e+00> : vector<1264x256xf32>
    %dot_general3A_5 = tpu.matmul %get3A_1, %get3A_4, %dot_general3A {dimension_numbers = #tpu.dot_dimension_numbers<[1], [0], [0], [1], [0, 0, 1, 1], [], []>, transpose_lhs_hint = false} : vector<1264x128xf32>, vector<128x256xf32>, vector<1264x256xf32> -> vector<1264x256xf32>
    %slice3A = vector.extract_strided_slice %dot_general3A_5 {offsets = [0, 0], sizes = [1264, 128], strides = [1, 1]} : vector<1264x256xf32> to vector<1264x128xf32>
    %convert_element_type3A = arith.truncf %slice3A : vector<1264x128xf32> to vector<1264x128xbf16>
    %swap3A = arith.constant 0 : index
    %swap3A_6 = arith.constant 0 : index
    %swap3A_7 = vector.load %arg3[%swap3A, %swap3A_6] : memref<1264x128xbf16, #tpu.memory_space<vmem>>, vector<1264x128xbf16>
    tpu.vector_store %arg3[%swap3A, %swap3A_6], %convert_element_type3A {strides = array<i32>} : memref<1264x128xbf16, #tpu.memory_space<vmem>>, vector<1264x128xbf16>,
    %slice3A_8 = vector.extract_strided_slice %dot_general3A_5 {offsets = [0, 128], sizes = [1264, 128], strides = [1, 1]} : vector<1264x256xf32> to vector<1264x128xf32>
    %swap3A_9 = arith.constant 0 : index
    %swap3A_10 = arith.constant 0 : index
    %swap3A_11 = vector.load %arg4[%swap3A_9, %swap3A_10] : memref<1264x128xf32, #tpu.memory_space<vmem>>, vector<1264x128xf32>
    tpu.vector_store %arg4[%swap3A_9, %swap3A_10], %slice3A_8 {strides = array<i32>} : memref<1264x128xf32, #tpu.memory_space<vmem>>, vector<1264x128xf32>,
    return
  }
  func.func @transform_0(%arg0: i32) -> (i32, i32) {
    %c0_i32 = arith.constant 0 : i32
    %c0_i32_0 = arith.constant 0 : i32
    return %arg0, %c0_i32 : i32, i32
  }
  func.func @transform_1(%arg0: i32) -> (i32, i32) {
    %c0_i32 = arith.constant 0 : i32
    %c0_i32_0 = arith.constant 0 : i32
    %c0_i32_1 = arith.constant 0 : i32
    return %c0_i32, %c0_i32_0 : i32, i32
  }
  func.func @transform_2(%arg0: i32) -> (i32, i32) {
    %c0_i32 = arith.constant 0 : i32
    %c0_i32_0 = arith.constant 0 : i32
    return %arg0, %c0_i32 : i32, i32
  }
  func.func @transform_3(%arg0: i32) -> (i32, i32) {
    %c0_i32 = arith.constant 0 : i32
    %c0_i32_0 = arith.constant 0 : i32
    return %arg0, %c0_i32 : i32, i32
  }
}

module attributes {stable_mosaic.version = 14 : i64} {
  func.func @_tc2_body(%arg0: i32, %arg1: memref<1264x128xbf16, #tpu.memory_space<vmem>>, %arg2: memref<1264x128xbf16, #tpu.memory_space<vmem>>, %arg3: memref<1264x32xbf16, #tpu.memory_space<vmem>>, %arg4: memref<1264x32xbf16, #tpu.memory_space<vmem>>, %arg5: memref<1264x128xf32, #tpu.memory_space<vmem>>, %arg6: memref<1x128xf32, #tpu.memory_space<vmem>>, %arg7: memref<128x128xf32, #tpu.memory_space<vmem>>, %arg8: memref<1264x64xbf16, #tpu.memory_space<vmem>>, %arg9: memref<1264x64xf32, #tpu.memory_space<vmem>>, %arg10: memref<1264x64xf32, #tpu.memory_space<vmem>>) attributes {dimension_semantics = [#tpu.dimension_semantics<arbitrary>], iteration_bounds = array<i64: 8>, scalar_prefetch = 0 : i64, scratch_operands = 0 : i64, tpu.core_type = #tpu.core_type<tc>, window_params = [{transform_indices = @transform_0, window_bounds = array<i64: 1264, 128>}, {transform_indices = @transform_1, window_bounds = array<i64: 1264, 128>}, {transform_indices = @transform_2, window_bounds = array<i64: 1264, 32>}, {transform_indices = @transform_3, window_bounds = array<i64: 1264, 32>}, {transform_indices = @transform_4, window_bounds = array<i64: 1264, 128>}, {pipeline_mode = #tpu.pipeline_mode<synchronous>, transform_indices = @transform_5, window_bounds = array<i64: 1, 128>}, {pipeline_mode = #tpu.pipeline_mode<synchronous>, transform_indices = @transform_6, window_bounds = array<i64: 128, 128>}, {transform_indices = @transform_7, window_bounds = array<i64: 1264, 64>}, {transform_indices = @transform_8, window_bounds = array<i64: 1264, 64>}, {transform_indices = @transform_9, window_bounds = array<i64: 1264, 64>}]} {
    %get3A = arith.constant 0 : index
    %get3A_0 = arith.constant 0 : index
    %get3A_1 = vector.load %arg1[%get3A, %get3A_0] : memref<1264x128xbf16, #tpu.memory_space<vmem>>, vector<1264x128xbf16>
    %convert_element_type3A = arith.extf %get3A_1 : vector<1264x128xbf16> to vector<1264x128xf32>
    %get3A_2 = arith.constant 0 : index
    %get3A_3 = arith.constant 0 : index
    %get3A_4 = vector.load %arg2[%get3A_2, %get3A_3] : memref<1264x128xbf16, #tpu.memory_space<vmem>>, vector<1264x128xbf16>
    %convert_element_type3A_5 = arith.extf %get3A_4 : vector<1264x128xbf16> to vector<1264x128xf32>
    %add3A = arith.addf %convert_element_type3A, %convert_element_type3A_5 : vector<1264x128xf32>
    %get3A_6 = arith.constant 0 : index
    %get3A_7 = arith.constant 0 : index
    %get3A_8 = vector.load %arg3[%get3A_6, %get3A_7] : memref<1264x32xbf16, #tpu.memory_space<vmem>>, vector<1264x32xbf16>
    %convert_element_type3A_9 = arith.extf %get3A_8 : vector<1264x32xbf16> to vector<1264x32xf32>
    %get3A_10 = arith.constant 0 : index
    %get3A_11 = arith.constant 0 : index
    %get3A_12 = vector.load %arg4[%get3A_10, %get3A_11] : memref<1264x32xbf16, #tpu.memory_space<vmem>>, vector<1264x32xbf16>
    %convert_element_type3A_13 = arith.extf %get3A_12 : vector<1264x32xbf16> to vector<1264x32xf32>
    %add3A_14 = arith.addf %convert_element_type3A_9, %convert_element_type3A_13 : vector<1264x32xf32>
    %slice3A = vector.extract_strided_slice %add3A_14 {offsets = [0, 0], sizes = [1264, 1], strides = [1, 1]} : vector<1264x32xf32> to vector<1264x1xf32>
    %max3A = arith.constant 1.000000e+00 : f32
    %max3A_15 = vector.broadcast %max3A : f32 to vector<1264x1xf32>
    %max3A_16 = arith.maximumf %slice3A, %max3A_15 : vector<1264x1xf32>
    %div3A = arith.constant 1.000000e+00 : f32
    %div3A_17 = vector.broadcast %div3A : f32 to vector<1264x1xf32>
    %div3A_18 = arith.divf %div3A_17, %max3A_16 : vector<1264x1xf32>
    %mul3A = vector.broadcast %div3A_18 : vector<1264x1xf32> to vector<1264x128xf32>
    %mul3A_19 = arith.mulf %add3A, %mul3A : vector<1264x128xf32>
    %get3A_20 = arith.constant 0 : index
    %get3A_21 = arith.constant 0 : index
    %get3A_22 = vector.load %arg6[%get3A_20, %get3A_21] : memref<1x128xf32, #tpu.memory_space<vmem>>, vector<1x128xf32>
    %add3A_23 = vector.broadcast %get3A_22 : vector<1x128xf32> to vector<1264x128xf32>
    %add3A_24 = arith.addf %mul3A_19, %add3A_23 : vector<1264x128xf32>
    %get3A_25 = arith.constant 0 : index
    %get3A_26 = arith.constant 0 : index
    %get3A_27 = vector.load %arg5[%get3A_25, %get3A_26] : memref<1264x128xf32, #tpu.memory_space<vmem>>, vector<1264x128xf32>
    %add3A_28 = arith.addf %add3A_24, %get3A_27 : vector<1264x128xf32>
    %max3A_29 = arith.constant 0.000000e+00 : f32
    %max3A_30 = vector.broadcast %max3A_29 : f32 to vector<1264x128xf32>
    %max3A_31 = arith.maximumf %add3A_28, %max3A_30 : vector<1264x128xf32>
    %get3A_32 = arith.constant 0 : index
    %get3A_33 = arith.constant 0 : index
    %get3A_34 = vector.load %arg7[%get3A_32, %get3A_33] : memref<128x128xf32, #tpu.memory_space<vmem>>, vector<128x128xf32>
    %dot_general3A = arith.constant dense<0.000000e+00> : vector<1264x128xf32>
    %dot_general3A_35 = tpu.matmul %max3A_31, %get3A_34, %dot_general3A {dimension_numbers = #tpu.dot_dimension_numbers<[1], [0], [0], [1], [0, 0, 1, 1], [], []>, transpose_lhs_hint = false} : vector<1264x128xf32>, vector<128x128xf32>, vector<1264x128xf32> -> vector<1264x128xf32>
    %slice3A_36 = vector.extract_strided_slice %dot_general3A_35 {offsets = [0, 0], sizes = [1264, 64], strides = [1, 1]} : vector<1264x128xf32> to vector<1264x64xf32>
    %convert_element_type3A_37 = arith.truncf %slice3A_36 : vector<1264x64xf32> to vector<1264x64xbf16>
    %swap3A = arith.constant 0 : index
    %swap3A_38 = arith.constant 0 : index
    %swap3A_39 = vector.load %arg8[%swap3A, %swap3A_38] : memref<1264x64xbf16, #tpu.memory_space<vmem>>, vector<1264x64xbf16>
    tpu.vector_store %arg8[%swap3A, %swap3A_38], %convert_element_type3A_37 {strides = array<i32>} : memref<1264x64xbf16, #tpu.memory_space<vmem>>, vector<1264x64xbf16>,
    %slice3A_40 = vector.extract_strided_slice %dot_general3A_35 {offsets = [0, 64], sizes = [1264, 64], strides = [1, 1]} : vector<1264x128xf32> to vector<1264x64xf32>
    %swap3A_41 = arith.constant 0 : index
    %swap3A_42 = arith.constant 0 : index
    %swap3A_43 = vector.load %arg9[%swap3A_41, %swap3A_42] : memref<1264x64xf32, #tpu.memory_space<vmem>>, vector<1264x64xf32>
    tpu.vector_store %arg9[%swap3A_41, %swap3A_42], %slice3A_40 {strides = array<i32>} : memref<1264x64xf32, #tpu.memory_space<vmem>>, vector<1264x64xf32>,
    %broadcast_in_dim3A = vector.shape_cast %div3A_18 : vector<1264x1xf32> to vector<1264x1xf32>
    %broadcast_in_dim3A_44 = vector.broadcast %broadcast_in_dim3A : vector<1264x1xf32> to vector<1264x64xf32>
    %swap3A_45 = arith.constant 0 : index
    %swap3A_46 = arith.constant 0 : index
    %swap3A_47 = vector.load %arg10[%swap3A_45, %swap3A_46] : memref<1264x64xf32, #tpu.memory_space<vmem>>, vector<1264x64xf32>
    tpu.vector_store %arg10[%swap3A_45, %swap3A_46], %broadcast_in_dim3A_44 {strides = array<i32>} : memref<1264x64xf32, #tpu.memory_space<vmem>>, vector<1264x64xf32>,
    return
  }
  func.func @transform_0(%arg0: i32) -> (i32, i32) {
    %c0_i32 = arith.constant 0 : i32
    %c0_i32_0 = arith.constant 0 : i32
    return %arg0, %c0_i32 : i32, i32
  }
  func.func @transform_1(%arg0: i32) -> (i32, i32) {
    %c0_i32 = arith.constant 0 : i32
    %c0_i32_0 = arith.constant 0 : i32
    return %arg0, %c0_i32 : i32, i32
  }
  func.func @transform_2(%arg0: i32) -> (i32, i32) {
    %c0_i32 = arith.constant 0 : i32
    %c0_i32_0 = arith.constant 0 : i32
    return %arg0, %c0_i32 : i32, i32
  }
  func.func @transform_3(%arg0: i32) -> (i32, i32) {
    %c0_i32 = arith.constant 0 : i32
    %c0_i32_0 = arith.constant 0 : i32
    return %arg0, %c0_i32 : i32, i32
  }
  func.func @transform_4(%arg0: i32) -> (i32, i32) {
    %c0_i32 = arith.constant 0 : i32
    %c0_i32_0 = arith.constant 0 : i32
    return %arg0, %c0_i32 : i32, i32
  }
  func.func @transform_5(%arg0: i32) -> (i32, i32) {
    %c0_i32 = arith.constant 0 : i32
    %c0_i32_0 = arith.constant 0 : i32
    %c0_i32_1 = arith.constant 0 : i32
    return %c0_i32, %c0_i32_0 : i32, i32
  }
  func.func @transform_6(%arg0: i32) -> (i32, i32) {
    %c0_i32 = arith.constant 0 : i32
    %c0_i32_0 = arith.constant 0 : i32
    %c0_i32_1 = arith.constant 0 : i32
    return %c0_i32, %c0_i32_0 : i32, i32
  }
  func.func @transform_7(%arg0: i32) -> (i32, i32) {
    %c0_i32 = arith.constant 0 : i32
    %c0_i32_0 = arith.constant 0 : i32
    return %arg0, %c0_i32 : i32, i32
  }
  func.func @transform_8(%arg0: i32) -> (i32, i32) {
    %c0_i32 = arith.constant 0 : i32
    %c0_i32_0 = arith.constant 0 : i32
    return %arg0, %c0_i32 : i32, i32
  }
  func.func @transform_9(%arg0: i32) -> (i32, i32) {
    %c0_i32 = arith.constant 0 : i32
    %c0_i32_0 = arith.constant 0 : i32
    return %arg0, %c0_i32 : i32, i32
  }
}

module attributes {stable_mosaic.version = 14 : i64} {
  func.func @_tc3_body(%arg0: i32, %arg1: memref<1264x64xbf16, #tpu.memory_space<vmem>>, %arg2: memref<1264x64xbf16, #tpu.memory_space<vmem>>, %arg3: memref<1264x64xf32, #tpu.memory_space<vmem>>, %arg4: memref<1264x64xf32, #tpu.memory_space<vmem>>, %arg5: memref<1x64xf32, #tpu.memory_space<vmem>>, %arg6: memref<1264x64xf32, #tpu.memory_space<vmem>>) attributes {dimension_semantics = [#tpu.dimension_semantics<arbitrary>], iteration_bounds = array<i64: 8>, scalar_prefetch = 0 : i64, scratch_operands = 0 : i64, tpu.core_type = #tpu.core_type<tc>, window_params = [{transform_indices = @transform_0, window_bounds = array<i64: 1264, 64>}, {transform_indices = @transform_1, window_bounds = array<i64: 1264, 64>}, {transform_indices = @transform_2, window_bounds = array<i64: 1264, 64>}, {transform_indices = @transform_3, window_bounds = array<i64: 1264, 64>}, {pipeline_mode = #tpu.pipeline_mode<synchronous>, transform_indices = @transform_4, window_bounds = array<i64: 1, 64>}, {transform_indices = @transform_5, window_bounds = array<i64: 1264, 64>}]} {
    %get3A = arith.constant 0 : index
    %get3A_0 = arith.constant 0 : index
    %get3A_1 = vector.load %arg1[%get3A, %get3A_0] : memref<1264x64xbf16, #tpu.memory_space<vmem>>, vector<1264x64xbf16>
    %convert_element_type3A = arith.extf %get3A_1 : vector<1264x64xbf16> to vector<1264x64xf32>
    %get3A_2 = arith.constant 0 : index
    %get3A_3 = arith.constant 0 : index
    %get3A_4 = vector.load %arg2[%get3A_2, %get3A_3] : memref<1264x64xbf16, #tpu.memory_space<vmem>>, vector<1264x64xbf16>
    %convert_element_type3A_5 = arith.extf %get3A_4 : vector<1264x64xbf16> to vector<1264x64xf32>
    %add3A = arith.addf %convert_element_type3A, %convert_element_type3A_5 : vector<1264x64xf32>
    %get3A_6 = arith.constant 0 : index
    %get3A_7 = arith.constant 0 : index
    %get3A_8 = vector.load %arg3[%get3A_6, %get3A_7] : memref<1264x64xf32, #tpu.memory_space<vmem>>, vector<1264x64xf32>
    %mul3A = arith.mulf %add3A, %get3A_8 : vector<1264x64xf32>
    %get3A_9 = arith.constant 0 : index
    %get3A_10 = arith.constant 0 : index
    %get3A_11 = vector.load %arg5[%get3A_9, %get3A_10] : memref<1x64xf32, #tpu.memory_space<vmem>>, vector<1x64xf32>
    %add3A_12 = vector.broadcast %get3A_11 : vector<1x64xf32> to vector<1264x64xf32>
    %add3A_13 = arith.addf %mul3A, %add3A_12 : vector<1264x64xf32>
    %get3A_14 = arith.constant 0 : index
    %get3A_15 = arith.constant 0 : index
    %get3A_16 = vector.load %arg4[%get3A_14, %get3A_15] : memref<1264x64xf32, #tpu.memory_space<vmem>>, vector<1264x64xf32>
    %add3A_17 = arith.addf %add3A_13, %get3A_16 : vector<1264x64xf32>
    %swap3A = arith.constant 0 : index
    %swap3A_18 = arith.constant 0 : index
    %swap3A_19 = vector.load %arg6[%swap3A, %swap3A_18] : memref<1264x64xf32, #tpu.memory_space<vmem>>, vector<1264x64xf32>
    tpu.vector_store %arg6[%swap3A, %swap3A_18], %add3A_17 {strides = array<i32>} : memref<1264x64xf32, #tpu.memory_space<vmem>>, vector<1264x64xf32>,
    return
  }
  func.func @transform_0(%arg0: i32) -> (i32, i32) {
    %c0_i32 = arith.constant 0 : i32
    %c0_i32_0 = arith.constant 0 : i32
    return %arg0, %c0_i32 : i32, i32
  }
  func.func @transform_1(%arg0: i32) -> (i32, i32) {
    %c0_i32 = arith.constant 0 : i32
    %c0_i32_0 = arith.constant 0 : i32
    return %arg0, %c0_i32 : i32, i32
  }
  func.func @transform_2(%arg0: i32) -> (i32, i32) {
    %c0_i32 = arith.constant 0 : i32
    %c0_i32_0 = arith.constant 0 : i32
    return %arg0, %c0_i32 : i32, i32
  }
  func.func @transform_3(%arg0: i32) -> (i32, i32) {
    %c0_i32 = arith.constant 0 : i32
    %c0_i32_0 = arith.constant 0 : i32
    return %arg0, %c0_i32 : i32, i32
  }
  func.func @transform_4(%arg0: i32) -> (i32, i32) {
    %c0_i32 = arith.constant 0 : i32
    %c0_i32_0 = arith.constant 0 : i32
    %c0_i32_1 = arith.constant 0 : i32
    return %c0_i32, %c0_i32_0 : i32, i32
  }
  func.func @transform_5(%arg0: i32) -> (i32, i32) {
    %c0_i32 = arith.constant 0 : i32
    %c0_i32_0 = arith.constant 0 : i32
    return %arg0, %c0_i32 : i32, i32
  }
}

</mosaic_0001>

<sc_bundles>
// kernel: kernel.10.cloned.1.call-start
scs
__scs_entry_jumppad:
0x0: {  	(pc) =	sbr.rel $0x88, $3  }
0x1: {  	(tag) =	ssettag $0x0;
	lr =	simm.s32 $0x1  }
0x2: {  	[smem:$0x3F99] =	sst lr;
	_ =	strace $0xD0000000  }
0x3: {  	_ = 	snop  }
0x4: {  	_ = 	snop  }
0x5: {  	_ = 	snop  }
0x6: {  	_ = 	snop  }
0x7: {  	_ = 	snop  }
__scs_overlays_trampoline_lowered:
0x8: {  	[smem:$0x3FA8] =	sst s0  }
0x9: {  	[smem:$0x3FA9] =	sst s1  }
0xa: {  	[smem:$0x3FAA] =	sst s2  }
0xb: {  	[smem:$0x3FAB] =	sst s3  }
0xc: {  	[smem:$0x3FAC] =	sst s4  }
0xd: {  	[smem:$0x3FAD] =	sst s5  }
0xe: {  	[smem:$0x3FAE] =	sst s6  }
0xf: {  	[smem:$0x3FAF] =	sst s7  }
0x10: {  	[smem:$0x3FB0] =	sst s8  }
0x11: {  	[smem:$0x3FB1] =	sst s9;
	s0 =	simm.s32 @!p0 $0x0  }
0x12: {  	s1 =	sld [smem:$0x3F97];
	s0 =	simm.s32 @p0 $0x1  }
0x13: {  	[smem:$0x3FB2] =	sst s0;
	s0 =	simm.s32 @!p1 $0x0  }
0x14: {  	s2 =	sld [smem:$0x3F96];
	s0 =	simm.s32 @p1 $0x1  }
0x15: {  	[smem:$0x3FB3] =	sst s0;
	s0 =	simm.s32 @!p2 $0x0  }
0x16: {  	s3 =	sld [smem:$0x3FDB];
	s0 =	simm.s32 @p2 $0x1  }
0x17: {  	s4 =	simm.s32 $0x1BF5;
	[smem:$0x3FB5] =	sst s0  }
0x18: {  	s0 =	sld [smem:$0x3F98];
	_ =	swait.ge [sflag:s4], $0x0  }
0x19: {  	s7 =	sld [smem:$0x3F99]  }
0x1a: {  	s8 =	sadd.s32 $0xFFFFE003, lr  }
0x1b: {  	s9 =	sadd.s32 $0xFFFFFEF7, lr;
	s5 =	simm.s32 $0xFFFFFFFF;
	p2 =	slt.u32 s8, $0xFFFFF086  }
0x1c: {  	p1 =	slt.u32 s9, $0xF7A;
	s5 =	simm.s32 @!p2 $0x0  }
0x1d: {  	s5 =	simm.s32 @p1 $0x1;
	p0 =	seq.s32 s7, s2  }
0x1e: {  	s7 =	smul.u32 @!p0 $0xF7A, s2;
	p2 =	seq.s32 @!p0 s5, $0x0  }
0x1f: {  	s9 =	smul.u32 $0xF7A, s1;
	s8 =	simm.s32 @!p0 $0x1BF5;
	p2 =	por !p2, p0  }
0x20: {  	[sflag:s8] =	ssyncset.s32 @!p0 $0xFFFFF086;
	s6 =	sadd.s32 @!p0 s3, s7;
	s7 =	simm.s32 @!p0 $0x108  }
0x21: {  	s3 =	sadd.s32 s3, s9;
	s6 =	sadd.s32 @!p0 $0x88, s6;
	s7 =	simm.s32 @p2 $0x1082  }
0x22: {  	[simem:s7], [sflag:s8] =	dma.local @!p0 [hbm:s6], $0xF7A  }
0x23: {  	s9 =	sor.u32 $0xD0000000, s2;
	s6 =	simm.s32 $0x108;
	_ =	swait.ge @!p0 [sflag:s8], $0x0  }
0x24: {  	s3 =	sadd.s32 $0x88, s3;
	s6 =	simm.s32 @!p1 $0x1082;
	[sflag:s4] =	ssyncset.s32 $0xFFFFF086  }
0x25: {  	[simem:s6], [sflag:s4] =	dma.local [hbm:s3], $0xF7A  }
0x26: {  	[smem:$0x3F99] =	sst s1;
	(tag) =	ssettag s2;
	_ =	strace s9  }
0x27: {  	s1 =	sld [smem:$0x3FA9]  }
0x28: {  	s2 =	sld [smem:$0x3FAA]  }
0x29: {  	s4 =	sld [smem:$0x3FAC]  }
0x2a: {  	p0 =	seq.s32 s5, $0x0;
	s5 =	sld [smem:$0x3FAD]  }
0x2b: {  	s6 =	sld [smem:$0x3FAE]  }
0x2c: {  	s7 =	sld [smem:$0x3FAF]  }
0x2d: {  	s3 =	simm.s32 $0x108;
	s8 =	sld [smem:$0x3FB0]  }
0x2e: {  	s3 =	simm.s32 @!p0 $0x1082;
	s9 =	sld [smem:$0x3FB1]  }
0x2f: {  	lr =	sadd.s32 s0, s3;
	s0 =	sld [smem:$0x3FA8]  }
0x30: {  	s3 =	sld [smem:$0x3FAB]  }
0x31: {  	[smem:$0x3FB4] =	sst s10  }
0x32: {  	s10 =	sld [smem:$0x3FB2];
	_ =	sdelay $0x3  }
0x33: {  	p0 =	seq.s32 s10, $0x1;
	s10 =	sld [smem:$0x3FB4];
	_ =	sdelay $0x3  }
0x34: {  	[smem:$0x3FB4] =	sst s10  }
0x35: {  	s10 =	sld [smem:$0x3FB3];
	_ =	sdelay $0x3  }
0x36: {  	p1 =	seq.s32 s10, $0x1;
	s10 =	sld [smem:$0x3FB4];
	_ =	sdelay $0x3  }
0x37: {  	[smem:$0x3FB4] =	sst s10  }
0x38: {  	s10 =	sld [smem:$0x3FB5]  }
0x39: {  	_ = 	snop;
	(pc) =	sbr.ind lr, $3  }
0x3a: {  	_ = 	snop  }
0x3b: {  	_ = 	snop  }
0x3c: {  	p2 =	seq.s32 s10, $0x1;
	s10 =	sld [smem:$0x3FB4]  }
0x3d: {  	_ =	shalt  }
0x3e: {  	_ =	shalt  }
0x3f: {  	_ =	shalt  }
0x40: {  	_ =	shalt  }
0x41: {  	_ =	shalt  }
0x42: {  	_ =	shalt  }
0x43: {  	_ =	shalt  }
0x44: {  	_ =	shalt  }
0x45: {  	_ =	shalt  }
0x46: {  	_ =	shalt  }
0x47: {  	_ =	shalt  }
0x48: {  	_ =	shalt  }
0x49: {  	_ =	shalt  }
0x4a: {  	_ =	shalt  }
0x4b: {  	_ =	shalt  }
0x4c: {  	_ =	shalt  }
0x4d: {  	_ =	shalt  }
0x4e: {  	_ =	shalt  }
0x4f: {  	_ =	shalt  }
0x50: {  	_ =	shalt  }
0x51: {  	_ =	shalt  }
0x52: {  	_ =	shalt  }
0x53: {  	_ =	shalt  }
0x54: {  	_ =	shalt  }
0x55: {  	_ =	shalt  }
0x56: {  	_ =	shalt  }
0x57: {  	_ =	shalt  }
0x58: {  	_ =	shalt  }
0x59: {  	_ =	shalt  }
0x5a: {  	_ =	shalt  }
0x5b: {  	_ =	shalt  }
0x5c: {  	_ =	shalt  }
0x5d: {  	_ =	shalt  }
0x5e: {  	_ =	shalt  }
0x5f: {  	_ =	shalt  }
0x60: {  	_ =	shalt  }
0x61: {  	_ =	shalt  }
0x62: {  	_ =	shalt  }
0x63: {  	_ =	shalt  }
0x64: {  	_ =	shalt  }
0x65: {  	_ =	shalt  }
0x66: {  	_ =	shalt  }
0x67: {  	_ =	shalt  }
0x68: {  	_ =	shalt  }
0x69: {  	_ =	shalt  }
0x6a: {  	_ =	shalt  }
0x6b: {  	_ =	shalt  }
0x6c: {  	_ =	shalt  }
0x6d: {  	_ =	shalt  }
0x6e: {  	_ =	shalt  }
0x6f: {  	_ =	shalt  }
0x70: {  	_ =	shalt  }
0x71: {  	_ =	shalt  }
0x72: {  	_ =	shalt  }
0x73: {  	_ =	shalt  }
0x74: {  	_ =	shalt  }
0x75: {  	_ =	shalt  }
0x76: {  	_ =	shalt  }
0x77: {  	_ =	shalt  }
0x78: {  	_ =	shalt  }
0x79: {  	_ =	shalt  }
0x7a: {  	_ =	shalt  }
0x7b: {  	_ =	shalt  }
0x7c: {  	_ =	shalt  }
0x7d: {  	_ =	shalt  }
0x7e: {  	_ =	shalt  }
0x7f: {  	_ =	shalt  }
0x80: {  	_ =	shalt  }
0x81: {  	_ =	shalt  }
0x82: {  	_ =	shalt  }
0x83: {  	_ =	shalt  }
0x84: {  	_ =	shalt  }
0x85: {  	_ =	shalt  }
0x86: {  	_ =	shalt  }
0x87: {  	_ =	shalt  }
.Lfunc_end0:
.L_simem_size_0:
called_computation.1_lowered:
.L_overlay_start_0:
0x88: {  	s2 =	sld [smem:$0x3FD9]  }
0x89: {  	s3 =	sld [smem:$0x3FFE];
	_ =	sdelay $0x1  }
0x8a: {  	s1 =	srdreg.scid  }
0x8b: {  	s0 =	sand.u32 $0x1, s1  }
0x8c: {  	s17 =	sshll.u32 s0, $0xA;
	s2 =	sadd.s32 s3, s2  }
0x8d: {  	s2 =	sadd.s32 s2, s17  }
0x8e: {  	[smem:$0x3FC0] =	sst s2  }
0x8f: {  	_ = 	snop  }
0x90: {  	s2 =	sld [smem:$0x3FD0];
	(tm) =	ssettm $0x1  }
0x91: {  	s18 =	sld [smem:$0x3FFB];
	_ =	sdelay $0x3  }
0x92: {  	_ =	strace s18  }
0x93: {  	s3 =	sld [smem:$0x3FFC];
	_ =	sdelay $0x3  }
0x94: {  	_ =	strace s3  }
0x95: {  	s3 =	sld [smem:$0x3FFD];
	_ =	sdelay $0x3  }
0x96: {  	_ =	strace s3  }
0x97: {  	_ =	strace $0x8FFFFFFF  }
0x98: {  	s19 =	sld [smem:$0x3FDB];
	_ =	sdelay $0x1  }
0x99: {  	s4 =	simm.s32 $_scs_section_size  }
0x9a: {  	s5 =	simm.s32 $_size__tile_overlayer_lowered;
	s6 =	simm.s32 $_tile_overlayer_lowered  }
0x9b: {  	s22 =	simm.s32 $0x1BFF;
	s21 =	sshll.u32 s6, $0x1;
	s3 =	sadd.s32 s4, s19  }
0x9c: {  	s7 =	simm.s32 $0x0;
	s20 =	sshll.u32 s5, $0x1;
	s5 =	sadd.s32 s21, s3  }
0x9d: {  	[timem:s7], [sflag:s22] =	dma.local [hbm:s5], s20  }
0x9e: {  	_ =	swait.ge [sflag:s22], s20  }
0x9f: {  	s4 =	ssub.s32 $0x0, s20;
	[sflag:s22] =	ssyncset.done $0x0  }
0xa0: {  	[sflag:s22] =	ssyncadd.s32 s4;
	_ =	sdelay $0x1  }
0xa1: {  	s23 =	simm.s32 $0x1B8B  }
0xa2: {  	_ =	swait.ge [sflag:s23], $0x1  }
0xa3: {  	[sflag:s23] =	ssyncset.done $0x0  }
0xa4: {  	s25 =	simm.s32 $0x1B8E;
	s24 =	sld [smem:$0x3FFE];
	[sflag:s23] =	ssyncadd.s32 $0xFFFFFFFF  }
0xa5: {  	s26 =	simm.s32 $execute0_lowered;
	[smem:$0x3FD2] =	sst s25  }
0xa6: {  	s5 =	sshll.u32 s26, $0x1;
	_ =	strace $0x80000049;
	[dreg:$0x1] =	wrdreg $0xFFFFFFFF  }
0xa7: {  	s28 =	simm.s32 $_size_execute0_lowered;
	s3 =	sadd.s32 s3, s5;
	[dreg:$0x0] =	wrdreg $0x0  }
0xa8: {  	s5 =	sshll.u32 s28, $0x1;
	[dreg:$0x2] =	wrdreg s3  }
0xa9: {  	[dreg:$0x3] =	wrdreg s5  }
0xaa: {  	[dreg:$0x4] =	wrdreg $0xC0  }
0xab: {  	_ =	task [dreg:s7], $0x5FFFF  }
0xac: {  	[dreg:$0x1] =	wrdreg $0xFFFFFFFF  }
0xad: {  	[dreg:$0x0] =	wrdreg $0x60  }
0xae: {  	[dreg:$0x2] =	wrdreg s24  }
0xaf: {  	[dreg:$0x3] =	wrdreg s2  }
0xb0: {  	[dreg:$0x4] =	wrdreg $0xD0000  }
0xb1: {  	[dreg:$0x5] =	wrdreg $0x9  }
0xb2: {  	_ =	task.clear_ibuf [dreg:s7], $0x6FFFF;
	_ =	strace $0x90000049  }
0xb3: {  	s29 =	simm.s32 $0x9;
	_ =	strace $0x8000004B  }
0xb4: {  	_ =	swait.ge [sflag:s29], $0x1  }
0xb5: {  	[sflag:s29] =	ssyncadd.s32 $0xFFFFFFFF  }
0xb6: {  	_ =	strace $0x9000004B  }
0xb7: {  	_ =	sfence  }
0xb8: {  	s30 =	sld [smem:$0x0];
	_ =	sdelay $0x2  }
0xb9: {  	s31 =	sshll.u32 s1, $0xD;
	s1 =	sshrl.u32 s1, $0x2  }
0xba: {  	s3 =	sand.u32 $0x4000, s31;
	s1 =	sadd.s32 s1, s30  }
0xbb: {  	s0 =	sor.u32 s3, s0;
	s1 =	sshll.u32 s1, $0x11  }
0xbc: {  	s0 =	sor.u32 s1, s0  }
0xbd: {  	s0 =	sadd.s32 $0x8F2B, s0  }
0xbe: {  	[sflag:s0] =	ssyncadd.remote.s32 $0x1  }
0xbf: {  	_ =	sfence.sel $0xFFFF  }
0xc0: {  	[dreg:$0x0] =	wrdreg $0xFFFFFFFF;
	(pc) =	sbr.abs _section_cstart, $3  }
0xc1: {  	[dreg:$0x1] =	wrdreg $0xFFFFFFFF  }
0xc2: {  	_ =	task.clear_ibuf [dreg:s7], $0x2FFFF;
	_ =	strace $0x9FFFFFFF  }
0xc3: {  	(tm) =	ssettm $0x7FFFFFFF  }
tec
execute0_lowered:
.L_overlay_start_1:
0x0: {  	(tag) =	ssettag $0x1  }
0x1: {  	s0 =	rddreg [dreg:$0x0]  }
0x2: {  	s2 =	rddreg [dreg:$0x1]  }
0x3: {  	s1 =	rddreg [dreg:$0x2];
	s3 =	simm.s32 $0x0;
	s16 =	srdreg.scid  }
0x4: {  	s17 =	stileid.u32;
	s28 =	simm.s32 $0x4;
	s29 =	simm.s32 $0x5  }
0x5: {  	s31 =	simm.s32 $0x100;
	[smem:$0x7FF] =	sst s3;
	s4 =	sadd.s32 $0x67400, s0  }
0x6: {  	s3 =	sand.u32 $0x1, s16;
	s5 =	sadd.s32 $0x35C00, s0;
	s9 =	smul.u32 $0x9E00, s17  }
0x7: {  	s10 =	sadd.s32 $0x2BC00, s0;
	s7 =	sadd.s32 $0x71200, s0;
	s20 =	sadd.s32 $0x71480, s0  }
0x8: {  	s16 =	smul.u32 $0x900, s17;
	_ =	strace $0x8000004A;
	[dreg:$0x4] =	wrdreg s7  }
0x9: {  	s6 =	ssub.s32 $0x2, s3;
	[dreg:$0x7] =	wrdreg s20;
	p0 =	seq.s32 s3, $0x1  }
0xa: {  	s3 =	smul.u32 $0x9E000, s3;
	s18 =	sshrl.u32 s6, $0x1;
	s19 =	sshrl.u32 s9, $0x1  }
0xb: {  	s12 =	sadd.s32 $0x2800, s9;
	s13 =	sadd.s32 $0x5000, s9;
	s14 =	sadd.s32 $0x7800, s9  }
0xc: {  	s6 =	ssub.s32 s6, s18;
	s7 =	sadd.s32 s19, s1;
	s11 =	sshrl.u32 s12, $0x1  }
0xd: {  	s21 =	sshrl.u32 s13, $0x1;
	s15 =	sshrl.u32 s14, $0x1;
	s18 =	sadd.s32 s5, s16  }
0xe: {  	s16 =	sadd.s32 s10, s16;
	s24 =	sadd.s32 s9, s3;
	s25 =	sadd.s32 s3, s12  }
0xf: {  	s26 =	sadd.s32 s3, s13;
	s3 =	sadd.s32 s3, s14;
	[dreg:$0x5] =	wrdreg s7  }
0x10: {  	s12 =	simm.s32 $0x0;
	s7 =	sshll.u32 s17, $0x6;
	[dreg:$0x8] =	wrdreg s18  }
0x11: {  	s11 =	sadd.s32 s11, s1;
	s17 =	sshll.u32 s17, $0x8;
	[dreg:$0x9] =	wrdreg s16  }
0x12: {  	s16 =	sadd.s32 $0x71700, s0;
	s18 =	sadd.s32 $0x71980, s0;
	s0 =	sshrl.u32 s25, $0x4  }
0x13: {  	s30 =	sshrl.u32 s26, $0x4;
	s3 =	sshrl.u32 s3, $0x4;
	s25 =	simm.s32 $0x2  }
0x14: {  	s26 =	simm.s32 $0x3;
	s8 =	sor.u32 $0x1C01, s7;
	[dreg:$0x6] =	wrdreg s11  }
0x15: {  	s11 =	sadd.s32 s21, s1;
	s22 =	sor.u32 $0x9000, s17;
	s17 =	sadd.s32 s15, s1  }
.Ltmp0:
0x16: {  	s20 =	sadd.s32 s2, s0;
	s21 =	sadd.s32 s2, s30;
	(pc) =	sbr.rel .LBB2_1-.Ltmp0, $4  }
0x17: {  	s0 =	simm.s32 $0x9000;
	s5 =	sadd.s32 s5, s22;
	[dreg:$0xc] =	wrdreg s8  }
0x18: {  	s23 =	sadd.s32 s10, s22;
	s22 =	sadd.s32 s2, s3;
	[dreg:$0xa] =	wrdreg s5  }
0x19: {  	s3 =	simm.s32 $0xB000;
	[dreg:$0xb] =	wrdreg s23;
	s5 =	sshrl.u32 s24, $0x4  }
0x1a: {  	s23 =	smax.u32 s6, $0x1;
	s24 =	simm.s32 $0x1;
	s19 =	sadd.s32 s2, s5  }
.LBB2_5:
0x1b: {  	s9 =	simm.s32 $0x0;
	s10 =	rddreg [dreg:$0xa]  }
0x1c: {  	[tilespmem:s9], [sflag:$0x5] =	stream.linear.gather [hbm4b:s10+s9], $0x800, $0x38;
	[tilespmem:$0x11F00] =	vst v63  }
0x1d: {  	_ =	swait.ge [sflag:s29], $0x800  }
0x1e: {  	[sflag:s29] =	ssyncset.done $0x0  }
0x1f: {  	s26 =	simm.s32 $0x4800;
	s10 =	rddreg [dreg:$0xb];
	[sflag:s29] =	ssyncadd.s32 $0xFFFFF800  }
0x20: {  	[tilespmem:s26], [sflag:$0x5] =	stream.linear.gather [hbm4b:s10+s9], $0x800, $0x38;
	[tilespmem:$0x11F00] =	vst v63  }
0x21: {  	_ =	swait.ge [sflag:s29], $0x800  }
0x22: {  	[sflag:s29] =	ssyncset.done $0x0  }
0x23: {  	[sflag:s29] =	ssyncadd.s32 $0xFFFFF800  }
0x24: {  	[tilespmem:s0], [sflag:$0x1] =	stream.indirect.gather [hbm4b:s4+s31], $0x20, s9, s31, $0xb8;
	[tilespmem:$0x11F00] =	vst v63  }
0x25: {  	_ = 	snop  }
0x26: {  	[tilespmem:s3], [sflag:$0x2] =	stream.indirect.gather [hbm4b:s4+s31], $0x20, s31, s31, $0xb8;
	[tilespmem:$0x11F00] =	vst v63  }
0x27: {  	_ =	swait.ge [sflag:s24], $0x2000  }
0x28: {  	[sflag:s24] =	ssyncset.done $0x0  }
0x29: {  	[sflag:s24] =	ssyncadd.s32 $0xFFFFE000  }
0x2a: {  	[spmem:s1] =	stream.indirect.scatter.add.bf16 [tilespmem:s0], [sflag:$0x5], $0x20, s26, s31, $0xb8;
	[tilespmem:$0x11F00] =	vst v63  }
0x2b: {  	_ =	swait.ge [sflag:s29], $0x2000  }
0x2c: {  	[sflag:s29] =	ssyncset.done $0x0  }
0x2d: {  	s10 =	simm.s32 $0x200;
	[sflag:s29] =	ssyncadd.s32 $0xFFFFE000  }
0x2e: {  	[tilespmem:s0], [sflag:$0x1] =	stream.indirect.gather [hbm4b:s4+s31], $0x20, s10, s31, $0xb8;
	[tilespmem:$0x11F00] =	vst v63  }
0x2f: {  	_ =	swait.ge [sflag:s25], $0x2000  }
0x30: {  	[sflag:s25] =	ssyncset.done $0x0  }
0x31: {  	s10 =	simm.s32 $0x4900;
	[sflag:s25] =	ssyncadd.s32 $0xFFFFE000  }
0x32: {  	[spmem:s1] =	stream.indirect.scatter.add.bf16 [tilespmem:s3], [sflag:$0x5], $0x20, s10, s31, $0xb8;
	[tilespmem:$0x11F00] =	vst v63  }
0x33: {  	_ =	swait.ge [sflag:s29], $0x2000  }
0x34: {  	[sflag:s29] =	ssyncset.done $0x0  }
0x35: {  	s10 =	simm.s32 $0x300;
	[sflag:s29] =	ssyncadd.s32 $0xFFFFE000  }
0x36: {  	[tilespmem:s3], [sflag:$0x2] =	stream.indirect.gather [hbm4b:s4+s31], $0x20, s10, s31, $0xb8;
	[tilespmem:$0x11F00] =	vst v63  }
0x37: {  	_ =	swait.ge [sflag:s24], $0x2000  }
0x38: {  	[sflag:s24] =	ssyncset.done $0x0  }
0x39: {  	s10 =	simm.s32 $0x4A00;
	[sflag:s24] =	ssyncadd.s32 $0xFFFFE000  }
0x3a: {  	[spmem:s1] =	stream.indirect.scatter.add.bf16 [tilespmem:s0], [sflag:$0x5], $0x20, s10, s31, $0xb8;
	[tilespmem:$0x11F00] =	vst v63  }
0x3b: {  	_ =	swait.ge [sflag:s29], $0x2000  }
0x3c: {  	[sflag:s29] =	ssyncset.done $0x0  }
0x3d: {  	s10 =	simm.s32 $0x400;
	[sflag:s29] =	ssyncadd.s32 $0xFFFFE000  }
0x3e: {  	[tilespmem:s0], [sflag:$0x1] =	stream.indirect.gather [hbm4b:s4+s31], $0x20, s10, s31, $0xb8;
	[tilespmem:$0x11F00] =	vst v63  }
0x3f: {  	_ =	swait.ge [sflag:s25], $0x2000  }
0x40: {  	[sflag:s25] =	ssyncset.done $0x0  }
0x41: {  	s10 =	simm.s32 $0x4B00;
	[sflag:s25] =	ssyncadd.s32 $0xFFFFE000  }
0x42: {  	[spmem:s1] =	stream.indirect.scatter.add.bf16 [tilespmem:s3], [sflag:$0x5], $0x20, s10, s31, $0xb8;
	[tilespmem:$0x11F00] =	vst v63  }
0x43: {  	_ =	swait.ge [sflag:s29], $0x2000  }
0x44: {  	[sflag:s29] =	ssyncset.done $0x0  }
0x45: {  	s10 =	simm.s32 $0x500;
	[sflag:s29] =	ssyncadd.s32 $0xFFFFE000  }
0x46: {  	[tilespmem:s3], [sflag:$0x2] =	stream.indirect.gather [hbm4b:s4+s31], $0x20, s10, s31, $0xb8;
	[tilespmem:$0x11F00] =	vst v63  }
0x47: {  	_ =	swait.ge [sflag:s24], $0x2000  }
0x48: {  	[sflag:s24] =	ssyncset.done $0x0  }
0x49: {  	s10 =	simm.s32 $0x4C00;
	[sflag:s24] =	ssyncadd.s32 $0xFFFFE000  }
0x4a: {  	[spmem:s1] =	stream.indirect.scatter.add.bf16 [tilespmem:s0], [sflag:$0x5], $0x20, s10, s31, $0xb8;
	[tilespmem:$0x11F00] =	vst v63  }
0x4b: {  	_ =	swait.ge [sflag:s29], $0x2000  }
0x4c: {  	[sflag:s29] =	ssyncset.done $0x0  }
0x4d: {  	s10 =	simm.s32 $0x600;
	[sflag:s29] =	ssyncadd.s32 $0xFFFFE000  }
0x4e: {  	[tilespmem:s0], [sflag:$0x1] =	stream.indirect.gather [hbm4b:s4+s31], $0x20, s10, s31, $0xb8;
	[tilespmem:$0x11F00] =	vst v63  }
0x4f: {  	_ =	swait.ge [sflag:s25], $0x2000  }
0x50: {  	[sflag:s25] =	ssyncset.done $0x0  }
0x51: {  	s10 =	simm.s32 $0x4D00;
	[sflag:s25] =	ssyncadd.s32 $0xFFFFE000  }
0x52: {  	[spmem:s1] =	stream.indirect.scatter.add.bf16 [tilespmem:s3], [sflag:$0x5], $0x20, s10, s31, $0xb8;
	[tilespmem:$0x11F00] =	vst v63  }
0x53: {  	_ =	swait.ge [sflag:s29], $0x2000  }
0x54: {  	[sflag:s29] =	ssyncset.done $0x0  }
0x55: {  	s10 =	simm.s32 $0x700;
	[sflag:s29] =	ssyncadd.s32 $0xFFFFE000  }
0x56: {  	[tilespmem:s3], [sflag:$0x2] =	stream.indirect.gather [hbm4b:s4+s31], $0x20, s10, s31, $0xb8;
	[tilespmem:$0x11F00] =	vst v63  }
0x57: {  	s9 =	simm.s32 $0x4F00;
	s26 =	simm.s32 $0x3;
	s10 =	simm.s32 $0x4E00  }
.LBB2_6:
0x58: {  	_ =	swait.ge [sflag:s24], $0x2000  }
0x59: {  	[sflag:s24] =	ssyncset.done $0x0  }
0x5a: {  	[sflag:s24] =	ssyncadd.s32 $0xFFFFE000  }
0x5b: {  	[spmem:s1] =	stream.indirect.scatter.add.bf16 [tilespmem:s0], [sflag:$0x5], $0x20, s10, s31, $0xb8;
	[tilespmem:$0x11F00] =	vst v63  }
0x5c: {  	_ =	swait.ge [sflag:s29], $0x2000  }
0x5d: {  	[sflag:s29] =	ssyncset.done $0x0  }
0x5e: {  	[sflag:s29] =	ssyncadd.s32 $0xFFFFE000  }
0x5f: {  	_ =	swait.ge [sflag:s25], $0x2000  }
0x60: {  	[sflag:s25] =	ssyncset.done $0x0  }
0x61: {  	[sflag:s25] =	ssyncadd.s32 $0xFFFFE000  }
0x62: {  	[spmem:s1] =	stream.indirect.scatter.add.bf16 [tilespmem:s3], [sflag:$0x5], $0x20, s9, s31, $0xb8;
	[tilespmem:$0x11F00] =	vst v63  }
0x63: {  	_ =	swait.ge [sflag:s29], $0x2000  }
0x64: {  	[sflag:s29] =	ssyncset.done $0x0  }
0x65: {  	[sflag:s29] =	ssyncadd.s32 $0xFFFFE000  }
0x66: {  	[bflag:$0x0] =	sbarrier.arrive $0xFFFF  }
0x67: {  	[hbm:s19], [sflag:s8] =	dma.local [spmem:s13], $0x280  }
0x68: {  	[hbm:s20], [sflag:s14] =	dma.local [spmem:s15], $0x280  }
0x69: {  	[hbm:s21], [sflag:s2] =	dma.local [spmem:s30], $0x280  }
0x6a: {  	[hbm:s22], [sflag:s5] =	dma.local [spmem:s6], $0x260  }
0x6b: {  	_ =	swait.ge [sflag:s24], $0x280  }
0x6c: {  	[sflag:s24] =	ssyncset.done $0x0  }
0x6d: {  	[sflag:s24] =	ssyncadd.s32 $0xFFFFFD80  }
0x6e: {  	_ =	swait.ge [sflag:s25], $0x280  }
0x6f: {  	[sflag:s25] =	ssyncset.done $0x0  }
0x70: {  	s12 =	sadd.s32 $0x1, s12;
	[sflag:s25] =	ssyncadd.s32 $0xFFFFFD80  }
0x71: {  	p1 =	sne.s32 s12, s23;
	_ =	swait.ge [sflag:s26], $0x280  }
.Ltmp1:
0x72: {  	[sflag:s26] =	ssyncset.done $0x0;
	(pc) =	sbr.rel @!p1 .LBB2_7-.Ltmp1, $4  }
0x73: {  	[sflag:s26] =	ssyncadd.s32 $0xFFFFFD80  }
0x74: {  	_ =	swait.ge [sflag:s28], $0x260  }
0x75: {  	[sflag:s28] =	ssyncset.done $0x0  }
0x76: {  	[sflag:s28] =	ssyncadd.s32 $0xFFFFFDA0  }
.LBB2_1:
0x77: {  	s2 =	rddreg [dreg:$0x5]  }
0x78: {  	s9 =	rddreg [dreg:$0x4]  }
0x79: {  	s14 =	sor.u32 $0x1C02, s7;
	s30 =	sshrl.u32 s11, $0x3;
	s13 =	sshrl.u32 s2, $0x3  }
0x7a: {  	[spmem:s13], [sflag:s8] =	dma.local [hbm:s9], $0x280  }
0x7b: {  	s5 =	sor.u32 $0x1C04, s7;
	s6 =	sshrl.u32 s17, $0x3;
	s2 =	rddreg [dreg:$0x6]  }
0x7c: {  	s10 =	rddreg [dreg:$0x7];
	s15 =	sshrl.u32 s2, $0x3;
	s2 =	sor.u32 $0x1C03, s7  }
0x7d: {  	[spmem:s15], [sflag:s14] =	dma.local [hbm:s10], $0x280  }
0x7e: {  	[spmem:s30], [sflag:s2] =	dma.local [hbm:s16], $0x280  }
0x7f: {  	[spmem:s6], [sflag:s5] =	dma.local [hbm:s18], $0x260  }
0x80: {  	_ =	swait.ge [sflag:s24], $0x280  }
0x81: {  	[sflag:s24] =	ssyncset.done $0x0  }
0x82: {  	[sflag:s24] =	ssyncadd.s32 $0xFFFFFD80  }
0x83: {  	_ =	swait.ge [sflag:s25], $0x280  }
0x84: {  	[sflag:s25] =	ssyncset.done $0x0  }
0x85: {  	[sflag:s25] =	ssyncadd.s32 $0xFFFFFD80  }
0x86: {  	_ =	swait.ge [sflag:s26], $0x280  }
0x87: {  	[sflag:s26] =	ssyncset.done $0x0  }
0x88: {  	[sflag:s26] =	ssyncadd.s32 $0xFFFFFD80  }
.Ltmp2:
0x89: {  	_ =	swait.ge [sflag:s28], $0x260;
	(pc) =	sbr.rel @p0 .LBB2_5-.Ltmp2, $3  }
0x8a: {  	[sflag:s28] =	ssyncset.done $0x0  }
0x8b: {  	[sflag:s28] =	ssyncadd.s32 $0xFFFFFDA0  }
0x8c: {  	[bflag:$0x0] =	sbarrier.arrive $0xFFFF;
	_ =	sdelay $0x1  }
0x8d: {  	s8 =	smov.u32 s23  }
0x8e: {  	s23 =	smov.u32 s22;
	s22 =	smov.u32 s21;
	s21 =	smov.u32 s20  }
0x8f: {  	s20 =	smov.u32 s19;
	s9 =	simm.s32 $0x0;
	s10 =	rddreg [dreg:$0x8]  }
0x90: {  	[tilespmem:s9], [sflag:$0x5] =	stream.linear.gather [hbm4b:s10+s9], $0x4800, $0x38;
	[tilespmem:$0x11F00] =	vst v63  }
0x91: {  	s19 =	smov.u32 s18;
	s18 =	smov.u32 s17;
	_ =	swait.ge [sflag:s29], $0x4800  }
0x92: {  	s17 =	smov.u32 s16;
	s16 =	smov.u32 s11;
	[sflag:s29] =	ssyncset.done $0x0  }
0x93: {  	s11 =	simm.s32 $0x4800;
	s10 =	rddreg [dreg:$0x9];
	[sflag:s29] =	ssyncadd.s32 $0xFFFFB800  }
0x94: {  	[tilespmem:s11], [sflag:$0x5] =	stream.linear.gather [hbm4b:s10+s9], $0x4800, $0x38;
	[tilespmem:$0x11F00] =	vst v63  }
0x95: {  	_ =	swait.ge [sflag:s29], $0x4800  }
0x96: {  	[sflag:s29] =	ssyncset.done $0x0  }
0x97: {  	[sflag:s29] =	ssyncadd.s32 $0xFFFFB800  }
0x98: {  	[tilespmem:s0], [sflag:$0x1] =	stream.indirect.gather [hbm4b:s4+s31], $0x20, s9, s31, $0xb8;
	[tilespmem:$0x11F00] =	vst v63  }
0x99: {  	_ = 	snop  }
0x9a: {  	[tilespmem:s3], [sflag:$0x2] =	stream.indirect.gather [hbm4b:s4+s31], $0x20, s31, s31, $0xb8;
	[tilespmem:$0x11F00] =	vst v63  }
0x9b: {  	_ =	swait.ge [sflag:s24], $0x2000  }
0x9c: {  	[sflag:s24] =	ssyncset.done $0x0  }
0x9d: {  	s11 =	simm.s32 $0x4800;
	[sflag:s24] =	ssyncadd.s32 $0xFFFFE000  }
0x9e: {  	[spmem:s1] =	stream.indirect.scatter.add.bf16 [tilespmem:s0], [sflag:$0x5], $0x20, s11, s31, $0xb8;
	[tilespmem:$0x11F00] =	vst v63  }
0x9f: {  	_ =	swait.ge [sflag:s29], $0x2000  }
0xa0: {  	[sflag:s29] =	ssyncset.done $0x0  }
0xa1: {  	s10 =	simm.s32 $0x200;
	[sflag:s29] =	ssyncadd.s32 $0xFFFFE000  }
0xa2: {  	[tilespmem:s0], [sflag:$0x1] =	stream.indirect.gather [hbm4b:s4+s31], $0x20, s10, s31, $0xb8;
	[tilespmem:$0x11F00] =	vst v63  }
0xa3: {  	_ =	swait.ge [sflag:s25], $0x2000  }
0xa4: {  	p1 =	por $0x0, $0x0;
	[sflag:s25] =	ssyncset.done $0x0  }
.Ltmp3:
0xa5: {  	s11 =	simm.s32 $0x4900;
	[sflag:s25] =	ssyncadd.s32 $0xFFFFE000;
	(pc) =	sbr.rel @p1 .LBB2_4-.Ltmp3, $4  }
0xa6: {  	[spmem:s1] =	stream.indirect.scatter.add.bf16 [tilespmem:s3], [sflag:$0x5], $0x20, s11, s31, $0xb8;
	[tilespmem:$0x11F00] =	vst v63  }
0xa7: {  	_ =	swait.ge [sflag:s29], $0x2000  }
0xa8: {  	[sflag:s29] =	ssyncset.done $0x0  }
0xa9: {  	s9 =	simm.s32 $0x800;
	s10 =	simm.s32 $0x300;
	[sflag:s29] =	ssyncadd.s32 $0xFFFFE000  }
.LBB2_3:
0xaa: {  	[tilespmem:s3], [sflag:$0x2] =	stream.indirect.gather [hbm4b:s4+s31], $0x20, s10, s31, $0xb8;
	[tilespmem:$0x11F00] =	vst v63  }
0xab: {  	s10 =	smov.u32 s9  }
0xac: {  	p1 =	seq.s32 s9, $0x11000;
	s9 =	sadd.s32 $0x800, s9;
	_ =	swait.ge [sflag:s24], $0x2000  }
0xad: {  	s10 =	sshra.s32 s10, $0x2;
	[sflag:s24] =	ssyncset.done $0x0  }
0xae: {  	s11 =	sadd.s32 $0x4800, s10;
	[sflag:s24] =	ssyncadd.s32 $0xFFFFE000  }
0xaf: {  	[spmem:s1] =	stream.indirect.scatter.add.bf16 [tilespmem:s0], [sflag:$0x5], $0x20, s11, s31, $0xb8;
	[tilespmem:$0x11F00] =	vst v63  }
0xb0: {  	_ =	swait.ge [sflag:s29], $0x2000  }
0xb1: {  	[sflag:s29] =	ssyncset.done $0x0  }
0xb2: {  	s11 =	sadd.s32 $0x200, s10;
	[sflag:s29] =	ssyncadd.s32 $0xFFFFE000  }
0xb3: {  	[tilespmem:s0], [sflag:$0x1] =	stream.indirect.gather [hbm4b:s4+s31], $0x20, s11, s31, $0xb8;
	[tilespmem:$0x11F00] =	vst v63  }
0xb4: {  	_ =	swait.ge [sflag:s25], $0x2000  }
0xb5: {  	[sflag:s25] =	ssyncset.done $0x0  }
.Ltmp4:
0xb6: {  	s11 =	sadd.s32 $0x4900, s10;
	[sflag:s25] =	ssyncadd.s32 $0xFFFFE000;
	(pc) =	sbr.rel @!p1 .LBB2_3-.Ltmp4, $4  }
0xb7: {  	[spmem:s1] =	stream.indirect.scatter.add.bf16 [tilespmem:s3], [sflag:$0x5], $0x20, s11, s31, $0xb8;
	[tilespmem:$0x11F00] =	vst v63  }
0xb8: {  	_ =	swait.ge [sflag:s29], $0x2000  }
0xb9: {  	[sflag:s29] =	ssyncset.done $0x0  }
0xba: {  	s10 =	sadd.s32 $0x300, s10;
	[sflag:s29] =	ssyncadd.s32 $0xFFFFE000  }
.LBB2_4:
0xbb: {  	[tilespmem:s3], [sflag:$0x2] =	stream.indirect.gather [hbm4b:s4+s31], $0x20, s10, s31, $0xb8;
	[tilespmem:$0x11F00] =	vst v63  }
.Ltmp5:
0xbc: {  	_ = 	snop;
	(pc) =	sbr.rel .LBB2_6-.Ltmp5, $4  }
0xbd: {  	s9 =	simm.s32 $0x8F00;
	s10 =	simm.s32 $0x8E00;
	s11 =	smov.u32 s16  }
0xbe: {  	s16 =	smov.u32 s17;
	s17 =	smov.u32 s18;
	s18 =	smov.u32 s19  }
0xbf: {  	s19 =	smov.u32 s20;
	s20 =	smov.u32 s21;
	s21 =	smov.u32 s22  }
0xc0: {  	s22 =	smov.u32 s23;
	s23 =	smov.u32 s8;
	s8 =	rddreg [dreg:$0xc]  }
.LBB2_7:
0xc1: {  	_ =	sfence.sel $0x180000  }
0xc2: {  	[bflag:$0x0] =	sbarrier.arrive $0xFFFF  }
0xc3: {  	_ =	strace $0x9000004A  }
0xc4: {  	s0 =	stileid.u32;
	[bflag:$0x2] =	sbarrier.arrive $0xFFFF  }
0xc5: {  	p0 =	sne.s32 s0, $0x0;
	s0 =	rddreg [dreg:$0x3]  }
0xc6: {  	s0 =	sadd.s32 @!p0 $0x100000, s0  }
0xc7: {  	[sflag:s0] =	ssyncadd.tile.s32 @!p0 $0x1;
	_ =	shalt  }
.Lfunc_end2:
_tile_overlayer_lowered:
.L_overlay_start_2:
0xc8: {  	(tag) =	ssettag $0x2  }
0xc9: {  	s0 =	rddreg [dreg:$0x0];
	s2 =	stileid.u32  }
0xca: {  	s1 =	rddreg [dreg:$0x1];
	p0 =	sne.s32 s2, $0x0  }
0xcb: {  	s3 =	rddreg [dreg:$0x2];
	[bflag:$0x3] =	sbarrier.arrive $0xFFFF;
	s2 =	simm.s32 @!p0 $0x1C05  }
0xcc: {  	[timem:s3], [sflag:s2] =	dma.local @!p0 [hbm:s0], s1  }
0xcd: {  	s0 =	simm.s32 @!p0 $0x5  }
0xce: {  	_ =	swait.ge @!p0 [sflag:s0], s1  }
0xcf: {  	s1 =	ssub.s32 @!p0 $0x0, s1;
	[sflag:s0] =	ssyncset.done @!p0 $0x0  }
0xd0: {  	[sflag:s0] =	ssyncadd.s32 @!p0 s1  }
0xd1: {  	[bflag:$0x3] =	sbarrier.arrive $0xFFFF  }
0xd2: {  	_ =	shalt  }

// kernel: kernel.7.cloned.1.call-start
scs
__scs_entry_jumppad:
0x0: {  	(pc) =	sbr.rel $0x88, $3  }
0x1: {  	(tag) =	ssettag $0x0;
	lr =	simm.s32 $0x1  }
0x2: {  	[smem:$0x3F99] =	sst lr;
	_ =	strace $0xD0000000  }
0x3: {  	_ = 	snop  }
0x4: {  	_ = 	snop  }
0x5: {  	_ = 	snop  }
0x6: {  	_ = 	snop  }
0x7: {  	_ = 	snop  }
__scs_overlays_trampoline_lowered:
0x8: {  	[smem:$0x3FA8] =	sst s0  }
0x9: {  	[smem:$0x3FA9] =	sst s1  }
0xa: {  	[smem:$0x3FAA] =	sst s2  }
0xb: {  	[smem:$0x3FAB] =	sst s3  }
0xc: {  	[smem:$0x3FAC] =	sst s4  }
0xd: {  	[smem:$0x3FAD] =	sst s5  }
0xe: {  	[smem:$0x3FAE] =	sst s6  }
0xf: {  	[smem:$0x3FAF] =	sst s7  }
0x10: {  	[smem:$0x3FB0] =	sst s8  }
0x11: {  	[smem:$0x3FB1] =	sst s9;
	s0 =	simm.s32 @!p0 $0x0  }
0x12: {  	s1 =	sld [smem:$0x3F97];
	s0 =	simm.s32 @p0 $0x1  }
0x13: {  	[smem:$0x3FB2] =	sst s0;
	s0 =	simm.s32 @!p1 $0x0  }
0x14: {  	s2 =	sld [smem:$0x3F96];
	s0 =	simm.s32 @p1 $0x1  }
0x15: {  	[smem:$0x3FB3] =	sst s0;
	s0 =	simm.s32 @!p2 $0x0  }
0x16: {  	s3 =	sld [smem:$0x3FDB];
	s0 =	simm.s32 @p2 $0x1  }
0x17: {  	s4 =	simm.s32 $0x1BF5;
	[smem:$0x3FB5] =	sst s0  }
0x18: {  	s0 =	sld [smem:$0x3F98];
	_ =	swait.ge [sflag:s4], $0x0  }
0x19: {  	s7 =	sld [smem:$0x3F99]  }
0x1a: {  	s8 =	sadd.s32 $0xFFFFE003, lr  }
0x1b: {  	s9 =	sadd.s32 $0xFFFFFEF7, lr;
	s5 =	simm.s32 $0xFFFFFFFF;
	p2 =	slt.u32 s8, $0xFFFFF086  }
0x1c: {  	p1 =	slt.u32 s9, $0xF7A;
	s5 =	simm.s32 @!p2 $0x0  }
0x1d: {  	s5 =	simm.s32 @p1 $0x1;
	p0 =	seq.s32 s7, s2  }
0x1e: {  	s7 =	smul.u32 @!p0 $0xF7A, s2;
	p2 =	seq.s32 @!p0 s5, $0x0  }
0x1f: {  	s9 =	smul.u32 $0xF7A, s1;
	s8 =	simm.s32 @!p0 $0x1BF5;
	p2 =	por !p2, p0  }
0x20: {  	[sflag:s8] =	ssyncset.s32 @!p0 $0xFFFFF086;
	s6 =	sadd.s32 @!p0 s3, s7;
	s7 =	simm.s32 @!p0 $0x108  }
0x21: {  	s3 =	sadd.s32 s3, s9;
	s6 =	sadd.s32 @!p0 $0x88, s6;
	s7 =	simm.s32 @p2 $0x1082  }
0x22: {  	[simem:s7], [sflag:s8] =	dma.local @!p0 [hbm:s6], $0xF7A  }
0x23: {  	s9 =	sor.u32 $0xD0000000, s2;
	s6 =	simm.s32 $0x108;
	_ =	swait.ge @!p0 [sflag:s8], $0x0  }
0x24: {  	s3 =	sadd.s32 $0x88, s3;
	s6 =	simm.s32 @!p1 $0x1082;
	[sflag:s4] =	ssyncset.s32 $0xFFFFF086  }
0x25: {  	[simem:s6], [sflag:s4] =	dma.local [hbm:s3], $0xF7A  }
0x26: {  	[smem:$0x3F99] =	sst s1;
	(tag) =	ssettag s2;
	_ =	strace s9  }
0x27: {  	s1 =	sld [smem:$0x3FA9]  }
0x28: {  	s2 =	sld [smem:$0x3FAA]  }
0x29: {  	s4 =	sld [smem:$0x3FAC]  }
0x2a: {  	p0 =	seq.s32 s5, $0x0;
	s5 =	sld [smem:$0x3FAD]  }
0x2b: {  	s6 =	sld [smem:$0x3FAE]  }
0x2c: {  	s7 =	sld [smem:$0x3FAF]  }
0x2d: {  	s3 =	simm.s32 $0x108;
	s8 =	sld [smem:$0x3FB0]  }
0x2e: {  	s3 =	simm.s32 @!p0 $0x1082;
	s9 =	sld [smem:$0x3FB1]  }
0x2f: {  	lr =	sadd.s32 s0, s3;
	s0 =	sld [smem:$0x3FA8]  }
0x30: {  	s3 =	sld [smem:$0x3FAB]  }
0x31: {  	[smem:$0x3FB4] =	sst s10  }
0x32: {  	s10 =	sld [smem:$0x3FB2];
	_ =	sdelay $0x3  }
0x33: {  	p0 =	seq.s32 s10, $0x1;
	s10 =	sld [smem:$0x3FB4];
	_ =	sdelay $0x3  }
0x34: {  	[smem:$0x3FB4] =	sst s10  }
0x35: {  	s10 =	sld [smem:$0x3FB3];
	_ =	sdelay $0x3  }
0x36: {  	p1 =	seq.s32 s10, $0x1;
	s10 =	sld [smem:$0x3FB4];
	_ =	sdelay $0x3  }
0x37: {  	[smem:$0x3FB4] =	sst s10  }
0x38: {  	s10 =	sld [smem:$0x3FB5]  }
0x39: {  	_ = 	snop;
	(pc) =	sbr.ind lr, $3  }
0x3a: {  	_ = 	snop  }
0x3b: {  	_ = 	snop  }
0x3c: {  	p2 =	seq.s32 s10, $0x1;
	s10 =	sld [smem:$0x3FB4]  }
0x3d: {  	_ =	shalt  }
0x3e: {  	_ =	shalt  }
0x3f: {  	_ =	shalt  }
0x40: {  	_ =	shalt  }
0x41: {  	_ =	shalt  }
0x42: {  	_ =	shalt  }
0x43: {  	_ =	shalt  }
0x44: {  	_ =	shalt  }
0x45: {  	_ =	shalt  }
0x46: {  	_ =	shalt  }
0x47: {  	_ =	shalt  }
0x48: {  	_ =	shalt  }
0x49: {  	_ =	shalt  }
0x4a: {  	_ =	shalt  }
0x4b: {  	_ =	shalt  }
0x4c: {  	_ =	shalt  }
0x4d: {  	_ =	shalt  }
0x4e: {  	_ =	shalt  }
0x4f: {  	_ =	shalt  }
0x50: {  	_ =	shalt  }
0x51: {  	_ =	shalt  }
0x52: {  	_ =	shalt  }
0x53: {  	_ =	shalt  }
0x54: {  	_ =	shalt  }
0x55: {  	_ =	shalt  }
0x56: {  	_ =	shalt  }
0x57: {  	_ =	shalt  }
0x58: {  	_ =	shalt  }
0x59: {  	_ =	shalt  }
0x5a: {  	_ =	shalt  }
0x5b: {  	_ =	shalt  }
0x5c: {  	_ =	shalt  }
0x5d: {  	_ =	shalt  }
0x5e: {  	_ =	shalt  }
0x5f: {  	_ =	shalt  }
0x60: {  	_ =	shalt  }
0x61: {  	_ =	shalt  }
0x62: {  	_ =	shalt  }
0x63: {  	_ =	shalt  }
0x64: {  	_ =	shalt  }
0x65: {  	_ =	shalt  }
0x66: {  	_ =	shalt  }
0x67: {  	_ =	shalt  }
0x68: {  	_ =	shalt  }
0x69: {  	_ =	shalt  }
0x6a: {  	_ =	shalt  }
0x6b: {  	_ =	shalt  }
0x6c: {  	_ =	shalt  }
0x6d: {  	_ =	shalt  }
0x6e: {  	_ =	shalt  }
0x6f: {  	_ =	shalt  }
0x70: {  	_ =	shalt  }
0x71: {  	_ =	shalt  }
0x72: {  	_ =	shalt  }
0x73: {  	_ =	shalt  }
0x74: {  	_ =	shalt  }
0x75: {  	_ =	shalt  }
0x76: {  	_ =	shalt  }
0x77: {  	_ =	shalt  }
0x78: {  	_ =	shalt  }
0x79: {  	_ =	shalt  }
0x7a: {  	_ =	shalt  }
0x7b: {  	_ =	shalt  }
0x7c: {  	_ =	shalt  }
0x7d: {  	_ =	shalt  }
0x7e: {  	_ =	shalt  }
0x7f: {  	_ =	shalt  }
0x80: {  	_ =	shalt  }
0x81: {  	_ =	shalt  }
0x82: {  	_ =	shalt  }
0x83: {  	_ =	shalt  }
0x84: {  	_ =	shalt  }
0x85: {  	_ =	shalt  }
0x86: {  	_ =	shalt  }
0x87: {  	_ =	shalt  }
.Lfunc_end0:
.L_simem_size_0:
called_computation_lowered:
.L_overlay_start_0:
0x88: {  	s2 =	sld [smem:$0x3FD9]  }
0x89: {  	s3 =	sld [smem:$0x3FFE];
	_ =	sdelay $0x1  }
0x8a: {  	s1 =	srdreg.scid  }
0x8b: {  	s0 =	sand.u32 $0x1, s1  }
0x8c: {  	s17 =	sshll.u32 s0, $0xA;
	s2 =	sadd.s32 s3, s2  }
0x8d: {  	s2 =	sadd.s32 s2, s17  }
0x8e: {  	[smem:$0x3FC0] =	sst s2  }
0x8f: {  	_ = 	snop  }
0x90: {  	s2 =	sld [smem:$0x3FD0];
	(tm) =	ssettm $0x1  }
0x91: {  	s18 =	sld [smem:$0x3FFB];
	_ =	sdelay $0x3  }
0x92: {  	_ =	strace s18  }
0x93: {  	s3 =	sld [smem:$0x3FFC];
	_ =	sdelay $0x3  }
0x94: {  	_ =	strace s3  }
0x95: {  	s3 =	sld [smem:$0x3FFD];
	_ =	sdelay $0x3  }
0x96: {  	_ =	strace s3  }
0x97: {  	_ =	strace $0x8FFFFFFF  }
0x98: {  	s19 =	sld [smem:$0x3FDB];
	_ =	sdelay $0x1  }
0x99: {  	s4 =	simm.s32 $_scs_section_size  }
0x9a: {  	s5 =	simm.s32 $_size__tile_overlayer_lowered;
	s6 =	simm.s32 $_tile_overlayer_lowered  }
0x9b: {  	s22 =	simm.s32 $0x1BFF;
	s21 =	sshll.u32 s6, $0x1;
	s3 =	sadd.s32 s4, s19  }
0x9c: {  	s7 =	simm.s32 $0x0;
	s20 =	sshll.u32 s5, $0x1;
	s5 =	sadd.s32 s21, s3  }
0x9d: {  	[timem:s7], [sflag:s22] =	dma.local [hbm:s5], s20  }
0x9e: {  	_ =	swait.ge [sflag:s22], s20  }
0x9f: {  	s4 =	ssub.s32 $0x0, s20;
	[sflag:s22] =	ssyncset.done $0x0  }
0xa0: {  	[sflag:s22] =	ssyncadd.s32 s4;
	_ =	sdelay $0x1  }
0xa1: {  	s23 =	simm.s32 $0x1B8B  }
0xa2: {  	_ =	swait.ge [sflag:s23], $0x1  }
0xa3: {  	[sflag:s23] =	ssyncset.done $0x0  }
0xa4: {  	s25 =	simm.s32 $0x1B8E;
	s24 =	sld [smem:$0x3FFE];
	[sflag:s23] =	ssyncadd.s32 $0xFFFFFFFF  }
0xa5: {  	s26 =	simm.s32 $execute0_lowered;
	[smem:$0x3FD2] =	sst s25  }
0xa6: {  	s5 =	sshll.u32 s26, $0x1;
	_ =	strace $0x80000046;
	[dreg:$0x1] =	wrdreg $0xFFFFFFFF  }
0xa7: {  	s28 =	simm.s32 $_size_execute0_lowered;
	s3 =	sadd.s32 s3, s5;
	[dreg:$0x0] =	wrdreg $0x0  }
0xa8: {  	s5 =	sshll.u32 s28, $0x1;
	[dreg:$0x2] =	wrdreg s3  }
0xa9: {  	[dreg:$0x3] =	wrdreg s5  }
0xaa: {  	[dreg:$0x4] =	wrdreg $0xC0  }
0xab: {  	_ =	task [dreg:s7], $0x5FFFF  }
0xac: {  	[dreg:$0x1] =	wrdreg $0xFFFFFFFF  }
0xad: {  	[dreg:$0x0] =	wrdreg $0x60  }
0xae: {  	[dreg:$0x2] =	wrdreg s2  }
0xaf: {  	[dreg:$0x3] =	wrdreg s24  }
0xb0: {  	[dreg:$0x4] =	wrdreg $0x110000  }
0xb1: {  	[dreg:$0x5] =	wrdreg $0x1BE000  }
0xb2: {  	[dreg:$0x6] =	wrdreg $0x9  }
0xb3: {  	_ =	task.clear_ibuf [dreg:s7], $0x7FFFF;
	_ =	strace $0x90000046  }
0xb4: {  	s29 =	simm.s32 $0x9;
	_ =	strace $0x80000048  }
0xb5: {  	_ =	swait.ge [sflag:s29], $0x1  }
0xb6: {  	[sflag:s29] =	ssyncadd.s32 $0xFFFFFFFF  }
0xb7: {  	_ =	strace $0x90000048  }
0xb8: {  	_ =	sfence  }
0xb9: {  	s30 =	sld [smem:$0x0];
	_ =	sdelay $0x2  }
0xba: {  	s31 =	sshll.u32 s1, $0xD;
	s1 =	sshrl.u32 s1, $0x2  }
0xbb: {  	s3 =	sand.u32 $0x4000, s31;
	s1 =	sadd.s32 s1, s30  }
0xbc: {  	s0 =	sor.u32 s3, s0;
	s1 =	sshll.u32 s1, $0x11  }
0xbd: {  	s0 =	sor.u32 s1, s0  }
0xbe: {  	s0 =	sadd.s32 $0x8F2B, s0  }
0xbf: {  	[sflag:s0] =	ssyncadd.remote.s32 $0x1  }
0xc0: {  	_ =	sfence.sel $0xFFFF  }
0xc1: {  	[dreg:$0x0] =	wrdreg $0xFFFFFFFF;
	(pc) =	sbr.abs _section_cstart, $3  }
0xc2: {  	[dreg:$0x1] =	wrdreg $0xFFFFFFFF  }
0xc3: {  	_ =	task.clear_ibuf [dreg:s7], $0x2FFFF;
	_ =	strace $0x9FFFFFFF  }
0xc4: {  	(tm) =	ssettm $0x7FFFFFFF  }
0xc5: {  	_ =	shalt  }
tec
execute0_lowered:
.L_overlay_start_1:
0x0: {  	(tag) =	ssettag $0x1  }
0x1: {  	s1 =	rddreg [dreg:$0x0]  }
0x2: {  	s0 =	rddreg [dreg:$0x1]  }
0x3: {  	s2 =	rddreg [dreg:$0x2]  }
0x4: {  	s4 =	rddreg [dreg:$0x3]  }
0x5: {  	s26 =	simm.s32 $0x0;
	s3 =	srdreg.scid;
	s17 =	stileid.u32  }
0x6: {  	s30 =	simm.s32 $0x1AE00;
	s31 =	simm.s32 $0x1;
	[smem:$0x7FF] =	sst s26  }
0x7: {  	s3 =	sand.u32 $0x1, s3;
	s6 =	smul.u32 $0x4F00, s17;
	s8 =	sadd.s32 $0x35C00, s0  }
0x8: {  	s9 =	sadd.s32 $0x2BC00, s0;
	s28 =	sadd.s32 $0x2800, s0;
	s10 =	sadd.s32 $0x3C00, s0  }
0x9: {  	s22 =	sadd.s32 $0x2BA00, s0;
	s11 =	smul.u32 $0x13C00, s17;
	s12 =	sadd.s32 $0x3FC00, s0  }
0xa: {  	s15 =	smul.u32 $0x900, s17;
	_ =	strace $0x80000047;
	[dreg:$0x5] =	wrdreg s10  }
0xb: {  	s19 =	sshll.u32 s17, $0x8;
	s7 =	smul.u32 $0x4F000, s3;
	[dreg:$0x6] =	wrdreg s22  }
0xc: {  	s23 =	ssub.s32 $0x2, s3;
	s16 =	smul.u32 $0x13C000, s3;
	p0 =	seq.s32 s3, $0x1  }
0xd: {  	s3 =	sor.u32 $0x9000, s19;
	s13 =	sshrl.u32 s23, $0x1;
	s24 =	sshrl.u32 s11, $0x1  }
0xe: {  	s14 =	sadd.s32 $0x5000, s11;
	s5 =	sadd.s32 $0xA000, s11;
	s18 =	sadd.s32 s8, s15  }
0xf: {  	s15 =	sadd.s32 s9, s15;
	s8 =	sadd.s32 s8, s3;
	s3 =	sadd.s32 s9, s3  }
0x10: {  	s9 =	simm.s32 $0xD000;
	s7 =	sadd.s32 s6, s7;
	[dreg:$0x9] =	wrdreg s18  }
0x11: {  	s10 =	ssub.s32 s23, s13;
	s13 =	sadd.s32 s24, s2;
	[dreg:$0xa] =	wrdreg s15  }
0x12: {  	s25 =	sshrl.u32 s14, $0x1;
	s20 =	sadd.s32 s11, s16;
	[dreg:$0xb] =	wrdreg s8  }
0x13: {  	[dreg:$0xc] =	wrdreg s3;
	s22 =	sshrl.u32 s5, $0x1;
	s23 =	sadd.s32 $0xF000, s11  }
0x14: {  	s24 =	sadd.s32 s16, s14;
	s8 =	simm.s32 $0x9000;
	s7 =	sshrl.u32 s7, $0x4  }
0x15: {  	[dreg:$0x7] =	wrdreg s13;
	s13 =	sadd.s32 s25, s2;
	s21 =	sshrl.u32 s20, $0x4  }
0x16: {  	s25 =	sadd.s32 s16, s5;
	s5 =	sadd.s32 s16, s23;
	s16 =	sadd.s32 $0x2D00, s0  }
0x17: {  	s18 =	sadd.s32 s22, s2;
	s19 =	sshrl.u32 s23, $0x1;
	s20 =	sshrl.u32 s6, $0x1  }
0x18: {  	s7 =	sadd.s32 s7, s0;
	[dreg:$0x8] =	wrdreg s13;
	s3 =	sadd.s32 s12, s21  }
0x19: {  	s11 =	sshrl.u32 s25, $0x4;
	s13 =	sshrl.u32 s5, $0x4;
	[dreg:$0x11] =	wrdreg s16  }
0x1a: {  	[dreg:$0x12] =	wrdreg s18;
	s21 =	sadd.s32 $0x3200, s0;
	s0 =	sadd.s32 $0x3700, s0  }
0x1b: {  	s22 =	sadd.s32 s20, s4;
	s25 =	sshll.u32 s17, $0x6;
	[dreg:$0xd] =	wrdreg s3  }
0x1c: {  	s5 =	simm.s32 $0x4800;
	s3 =	sshrl.u32 s24, $0x4;
	[dreg:$0x14] =	wrdreg s21  }
0x1d: {  	s14 =	sadd.s32 s12, s11;
	s15 =	sadd.s32 s12, s13;
	[dreg:$0x15] =	wrdreg s0  }
0x1e: {  	[dreg:$0x16] =	wrdreg s22;
	s23 =	sadd.s32 $0x67400, s7;
	s24 =	smax.u32 s10, $0x1  }
0x1f: {  	s29 =	sor.u32 $0x1C01, s25;
	s0 =	simm.s32 $0x2;
	[dreg:$0xf] =	wrdreg s14  }
.Ltmp0:
0x20: {  	s11 =	simm.s32 $0x4;
	[dreg:$0x10] =	wrdreg s15;
	(pc) =	sbr.rel .LBB2_1-.Ltmp0, $4  }
0x21: {  	s13 =	simm.s32 $0x6;
	s7 =	simm.s32 $0x100;
	[dreg:$0x17] =	wrdreg s23  }
0x22: {  	s10 =	simm.s32 $0x0;
	s3 =	sadd.s32 s12, s3;
	[dreg:$0x18] =	wrdreg s24  }
0x23: {  	s12 =	simm.s32 $0x5;
	[dreg:$0xe] =	wrdreg s3;
	s3 =	sadd.s32 s19, s2  }
0x24: {  	s14 =	simm.s32 $0x7;
	[dreg:$0x13] =	wrdreg s3;
	s3 =	simm.s32 $0x3  }
.LBB2_5:
0x25: {  	s6 =	rddreg [dreg:$0xb]  }
0x26: {  	[tilespmem:s26], [sflag:$0x7] =	stream.linear.gather [hbm4b:s6+s26], $0x800, $0x38;
	[tilespmem:$0x1E580] =	vst v63  }
0x27: {  	_ =	swait.ge [sflag:s14], $0x800  }
0x28: {  	[sflag:s14] =	ssyncset.done $0x0  }
0x29: {  	s24 =	simm.s32 $0x4800;
	s5 =	rddreg [dreg:$0xc];
	[sflag:s14] =	ssyncadd.s32 $0xFFFFF800  }
0x2a: {  	[tilespmem:s24], [sflag:$0x7] =	stream.linear.gather [hbm4b:s5+s26], $0x800, $0x38;
	[tilespmem:$0x1E580] =	vst v63  }
0x2b: {  	_ =	swait.ge [sflag:s14], $0x800  }
0x2c: {  	[sflag:s14] =	ssyncset.done $0x0  }
0x2d: {  	[sflag:s14] =	ssyncadd.s32 $0xFFFFF800  }
0x2e: {  	[tilespmem:s8], [sflag:$0x1] =	stream.indirect.gather [hbm4b:s1+s7], $0x40, s26, s7, $0xb8;
	[tilespmem:$0x1E580] =	vst v63  }
0x2f: {  	_ = 	snop  }
0x30: {  	[tilespmem:s9], [sflag:$0x2] =	stream.indirect.gather [hbm4b:s1+s7], $0x40, s7, s7, $0xb8;
	[tilespmem:$0x1E580] =	vst v63  }
0x31: {  	_ =	swait.ge [sflag:s31], $0x4000  }
0x32: {  	[sflag:s31] =	ssyncset.done $0x0  }
0x33: {  	[sflag:s31] =	ssyncadd.s32 $0xFFFFC000  }
0x34: {  	[spmem:s2] =	stream.indirect.scatter.add.bf16 [tilespmem:s8], [sflag:$0x7], $0x40, s24, s7, $0xb8;
	[tilespmem:$0x1E580] =	vst v63  }
0x35: {  	_ =	swait.ge [sflag:s14], $0x4000  }
0x36: {  	[sflag:s14] =	ssyncset.done $0x0  }
0x37: {  	[sflag:s14] =	ssyncadd.s32 $0xFFFFC000  }
0x38: {  	[spmem:s4] =	stream.indirect.scatter.add.bf16 [tilespmem:s30], [sflag:$0x7], $0x10, s24, s7, $0xb8;
	[tilespmem:$0x1E580] =	vst v63  }
0x39: {  	_ =	swait.ge [sflag:s14], $0x1000  }
0x3a: {  	[sflag:s14] =	ssyncset.done $0x0  }
0x3b: {  	s26 =	simm.s32 $0x200;
	[sflag:s14] =	ssyncadd.s32 $0xFFFFF000  }
0x3c: {  	[tilespmem:s8], [sflag:$0x1] =	stream.indirect.gather [hbm4b:s1+s7], $0x40, s26, s7, $0xb8;
	[tilespmem:$0x1E580] =	vst v63  }
0x3d: {  	_ =	swait.ge [sflag:s0], $0x4000  }
0x3e: {  	[sflag:s0] =	ssyncset.done $0x0  }
0x3f: {  	s24 =	simm.s32 $0x4900;
	[sflag:s0] =	ssyncadd.s32 $0xFFFFC000  }
0x40: {  	[spmem:s2] =	stream.indirect.scatter.add.bf16 [tilespmem:s9], [sflag:$0x7], $0x40, s24, s7, $0xb8;
	[tilespmem:$0x1E580] =	vst v63  }
0x41: {  	_ =	swait.ge [sflag:s14], $0x4000  }
0x42: {  	[sflag:s14] =	ssyncset.done $0x0  }
0x43: {  	[sflag:s14] =	ssyncadd.s32 $0xFFFFC000  }
0x44: {  	[spmem:s4] =	stream.indirect.scatter.add.bf16 [tilespmem:s30], [sflag:$0x7], $0x10, s24, s7, $0xb8;
	[tilespmem:$0x1E580] =	vst v63  }
0x45: {  	_ =	swait.ge [sflag:s14], $0x1000  }
0x46: {  	[sflag:s14] =	ssyncset.done $0x0  }
0x47: {  	s26 =	simm.s32 $0x300;
	[sflag:s14] =	ssyncadd.s32 $0xFFFFF000  }
0x48: {  	[tilespmem:s9], [sflag:$0x2] =	stream.indirect.gather [hbm4b:s1+s7], $0x40, s26, s7, $0xb8;
	[tilespmem:$0x1E580] =	vst v63  }
0x49: {  	_ =	swait.ge [sflag:s31], $0x4000  }
0x4a: {  	[sflag:s31] =	ssyncset.done $0x0  }
0x4b: {  	s24 =	simm.s32 $0x4A00;
	[sflag:s31] =	ssyncadd.s32 $0xFFFFC000  }
0x4c: {  	[spmem:s2] =	stream.indirect.scatter.add.bf16 [tilespmem:s8], [sflag:$0x7], $0x40, s24, s7, $0xb8;
	[tilespmem:$0x1E580] =	vst v63  }
0x4d: {  	_ =	swait.ge [sflag:s14], $0x4000  }
0x4e: {  	[sflag:s14] =	ssyncset.done $0x0  }
0x4f: {  	[sflag:s14] =	ssyncadd.s32 $0xFFFFC000  }
0x50: {  	[spmem:s4] =	stream.indirect.scatter.add.bf16 [tilespmem:s30], [sflag:$0x7], $0x10, s24, s7, $0xb8;
	[tilespmem:$0x1E580] =	vst v63  }
0x51: {  	_ =	swait.ge [sflag:s14], $0x1000  }
0x52: {  	[sflag:s14] =	ssyncset.done $0x0  }
0x53: {  	s26 =	simm.s32 $0x400;
	[sflag:s14] =	ssyncadd.s32 $0xFFFFF000  }
0x54: {  	[tilespmem:s8], [sflag:$0x1] =	stream.indirect.gather [hbm4b:s1+s7], $0x40, s26, s7, $0xb8;
	[tilespmem:$0x1E580] =	vst v63  }
0x55: {  	_ =	swait.ge [sflag:s0], $0x4000  }
0x56: {  	[sflag:s0] =	ssyncset.done $0x0  }
0x57: {  	s24 =	simm.s32 $0x4B00;
	[sflag:s0] =	ssyncadd.s32 $0xFFFFC000  }
0x58: {  	[spmem:s2] =	stream.indirect.scatter.add.bf16 [tilespmem:s9], [sflag:$0x7], $0x40, s24, s7, $0xb8;
	[tilespmem:$0x1E580] =	vst v63  }
0x59: {  	_ =	swait.ge [sflag:s14], $0x4000  }
0x5a: {  	[sflag:s14] =	ssyncset.done $0x0  }
0x5b: {  	[sflag:s14] =	ssyncadd.s32 $0xFFFFC000  }
0x5c: {  	[spmem:s4] =	stream.indirect.scatter.add.bf16 [tilespmem:s30], [sflag:$0x7], $0x10, s24, s7, $0xb8;
	[tilespmem:$0x1E580] =	vst v63  }
0x5d: {  	_ =	swait.ge [sflag:s14], $0x1000  }
0x5e: {  	[sflag:s14] =	ssyncset.done $0x0  }
0x5f: {  	s26 =	simm.s32 $0x500;
	[sflag:s14] =	ssyncadd.s32 $0xFFFFF000  }
0x60: {  	[tilespmem:s9], [sflag:$0x2] =	stream.indirect.gather [hbm4b:s1+s7], $0x40, s26, s7, $0xb8;
	[tilespmem:$0x1E580] =	vst v63  }
0x61: {  	_ =	swait.ge [sflag:s31], $0x4000  }
0x62: {  	[sflag:s31] =	ssyncset.done $0x0  }
0x63: {  	s24 =	simm.s32 $0x4C00;
	[sflag:s31] =	ssyncadd.s32 $0xFFFFC000  }
0x64: {  	[spmem:s2] =	stream.indirect.scatter.add.bf16 [tilespmem:s8], [sflag:$0x7], $0x40, s24, s7, $0xb8;
	[tilespmem:$0x1E580] =	vst v63  }
0x65: {  	_ =	swait.ge [sflag:s14], $0x4000  }
0x66: {  	[sflag:s14] =	ssyncset.done $0x0  }
0x67: {  	[sflag:s14] =	ssyncadd.s32 $0xFFFFC000  }
0x68: {  	[spmem:s4] =	stream.indirect.scatter.add.bf16 [tilespmem:s30], [sflag:$0x7], $0x10, s24, s7, $0xb8;
	[tilespmem:$0x1E580] =	vst v63  }
0x69: {  	_ =	swait.ge [sflag:s14], $0x1000  }
0x6a: {  	[sflag:s14] =	ssyncset.done $0x0  }
0x6b: {  	s26 =	simm.s32 $0x600;
	[sflag:s14] =	ssyncadd.s32 $0xFFFFF000  }
0x6c: {  	[tilespmem:s8], [sflag:$0x1] =	stream.indirect.gather [hbm4b:s1+s7], $0x40, s26, s7, $0xb8;
	[tilespmem:$0x1E580] =	vst v63  }
0x6d: {  	_ =	swait.ge [sflag:s0], $0x4000  }
0x6e: {  	[sflag:s0] =	ssyncset.done $0x0  }
0x6f: {  	s24 =	simm.s32 $0x4D00;
	[sflag:s0] =	ssyncadd.s32 $0xFFFFC000  }
0x70: {  	[spmem:s2] =	stream.indirect.scatter.add.bf16 [tilespmem:s9], [sflag:$0x7], $0x40, s24, s7, $0xb8;
	[tilespmem:$0x1E580] =	vst v63  }
0x71: {  	_ =	swait.ge [sflag:s14], $0x4000  }
0x72: {  	[sflag:s14] =	ssyncset.done $0x0  }
0x73: {  	[sflag:s14] =	ssyncadd.s32 $0xFFFFC000  }
0x74: {  	[spmem:s4] =	stream.indirect.scatter.add.bf16 [tilespmem:s30], [sflag:$0x7], $0x10, s24, s7, $0xb8;
	[tilespmem:$0x1E580] =	vst v63  }
0x75: {  	_ =	swait.ge [sflag:s14], $0x1000  }
0x76: {  	[sflag:s14] =	ssyncset.done $0x0  }
0x77: {  	s26 =	simm.s32 $0x700;
	[sflag:s14] =	ssyncadd.s32 $0xFFFFF000  }
0x78: {  	[tilespmem:s9], [sflag:$0x2] =	stream.indirect.gather [hbm4b:s1+s7], $0x40, s26, s7, $0xb8;
	[tilespmem:$0x1E580] =	vst v63  }
0x79: {  	s5 =	simm.s32 $0x4800;
	s24 =	simm.s32 $0x4F00;
	s26 =	simm.s32 $0x4E00  }
.LBB2_6:
0x7a: {  	_ =	swait.ge [sflag:s31], $0x4000  }
0x7b: {  	[sflag:s31] =	ssyncset.done $0x0  }
0x7c: {  	[sflag:s31] =	ssyncadd.s32 $0xFFFFC000  }
0x7d: {  	[spmem:s2] =	stream.indirect.scatter.add.bf16 [tilespmem:s8], [sflag:$0x7], $0x40, s26, s7, $0xb8;
	[tilespmem:$0x1E580] =	vst v63  }
0x7e: {  	_ =	swait.ge [sflag:s14], $0x4000  }
0x7f: {  	[sflag:s14] =	ssyncset.done $0x0  }
0x80: {  	[sflag:s14] =	ssyncadd.s32 $0xFFFFC000  }
0x81: {  	[spmem:s4] =	stream.indirect.scatter.add.bf16 [tilespmem:s30], [sflag:$0x7], $0x10, s26, s7, $0xb8;
	[tilespmem:$0x1E580] =	vst v63  }
0x82: {  	_ =	swait.ge [sflag:s14], $0x1000  }
0x83: {  	[sflag:s14] =	ssyncset.done $0x0  }
0x84: {  	[sflag:s14] =	ssyncadd.s32 $0xFFFFF000  }
0x85: {  	_ =	swait.ge [sflag:s0], $0x4000  }
0x86: {  	[sflag:s0] =	ssyncset.done $0x0  }
0x87: {  	[sflag:s0] =	ssyncadd.s32 $0xFFFFC000  }
0x88: {  	[spmem:s2] =	stream.indirect.scatter.add.bf16 [tilespmem:s9], [sflag:$0x7], $0x40, s24, s7, $0xb8;
	[tilespmem:$0x1E580] =	vst v63  }
0x89: {  	_ =	swait.ge [sflag:s14], $0x4000  }
0x8a: {  	[sflag:s14] =	ssyncset.done $0x0  }
0x8b: {  	[sflag:s14] =	ssyncadd.s32 $0xFFFFC000  }
0x8c: {  	[spmem:s4] =	stream.indirect.scatter.add.bf16 [tilespmem:s30], [sflag:$0x7], $0x10, s24, s7, $0xb8;
	[tilespmem:$0x1E580] =	vst v63  }
0x8d: {  	_ =	swait.ge [sflag:s14], $0x1000  }
0x8e: {  	[sflag:s14] =	ssyncset.done $0x0  }
0x8f: {  	[sflag:s14] =	ssyncadd.s32 $0xFFFFF000  }
0x90: {  	[bflag:$0x0] =	sbarrier.arrive $0xFFFF  }
0x91: {  	s6 =	rddreg [dreg:$0xd]  }
0x92: {  	[hbm:s6], [sflag:s29] =	dma.local [spmem:s15], $0x500  }
0x93: {  	s6 =	rddreg [dreg:$0xe]  }
0x94: {  	[hbm:s6], [sflag:s16] =	dma.local [spmem:s17], $0x500  }
0x95: {  	s6 =	rddreg [dreg:$0xf]  }
0x96: {  	[hbm:s6], [sflag:s18] =	dma.local [spmem:s19], $0x500  }
0x97: {  	s6 =	rddreg [dreg:$0x10]  }
0x98: {  	[hbm:s6], [sflag:s20] =	dma.local [spmem:s21], $0x4C0  }
0x99: {  	s6 =	rddreg [dreg:$0x17]  }
0x9a: {  	[hbm:s6], [sflag:s22] =	dma.local [spmem:s23], $0x4F0  }
0x9b: {  	_ =	swait.ge [sflag:s31], $0x500  }
0x9c: {  	[sflag:s31] =	ssyncset.done $0x0  }
0x9d: {  	[sflag:s31] =	ssyncadd.s32 $0xFFFFFB00  }
0x9e: {  	_ =	swait.ge [sflag:s0], $0x500  }
0x9f: {  	[sflag:s0] =	ssyncset.done $0x0  }
0xa0: {  	[sflag:s0] =	ssyncadd.s32 $0xFFFFFB00  }
0xa1: {  	_ =	swait.ge [sflag:s3], $0x500  }
0xa2: {  	[sflag:s3] =	ssyncset.done $0x0  }
0xa3: {  	[sflag:s3] =	ssyncadd.s32 $0xFFFFFB00  }
0xa4: {  	_ =	swait.ge [sflag:s11], $0x4C0  }
0xa5: {  	[sflag:s11] =	ssyncset.done $0x0  }
0xa6: {  	[sflag:s11] =	ssyncadd.s32 $0xFFFFFB40  }
0xa7: {  	_ =	swait.ge [sflag:s12], $0x4F0  }
0xa8: {  	s10 =	sadd.s32 $0x1, s10;
	s26 =	rddreg [dreg:$0x18]  }
0xa9: {  	p1 =	sne.s32 s10, s26  }
.Ltmp1:
0xaa: {  	_ = 	snop;
	(pc) =	sbr.rel @!p1 .LBB2_7-.Ltmp1, $3  }
0xab: {  	_ =	sdelay $0x1  }
0xac: {  	[sflag:s12] =	ssyncset.done $0x0  }
0xad: {  	[sflag:s12] =	ssyncadd.s32 $0xFFFFFB10;
	s26 =	simm.s32 $0x0  }
.LBB2_1:
0xae: {  	s6 =	rddreg [dreg:$0x7]  }
0xaf: {  	s15 =	sshrl.u32 s6, $0x3  }
0xb0: {  	[spmem:s15], [sflag:s29] =	dma.local [hbm:s28], $0x500  }
0xb1: {  	s20 =	rddreg [dreg:$0x8]  }
0xb2: {  	s16 =	sor.u32 $0x1C02, s25;
	s21 =	rddreg [dreg:$0x11];
	s17 =	sshrl.u32 s20, $0x3  }
0xb3: {  	[spmem:s17], [sflag:s16] =	dma.local [hbm:s21], $0x500  }
0xb4: {  	s6 =	rddreg [dreg:$0x12]  }
0xb5: {  	s18 =	sor.u32 $0x1C03, s25;
	s22 =	rddreg [dreg:$0x14];
	s19 =	sshrl.u32 s6, $0x3  }
0xb6: {  	[spmem:s19], [sflag:s18] =	dma.local [hbm:s22], $0x500  }
0xb7: {  	s6 =	rddreg [dreg:$0x13]  }
0xb8: {  	s20 =	sor.u32 $0x1C04, s25;
	s23 =	rddreg [dreg:$0x15];
	s21 =	sshrl.u32 s6, $0x3  }
0xb9: {  	[spmem:s21], [sflag:s20] =	dma.local [hbm:s23], $0x4C0  }
0xba: {  	s6 =	rddreg [dreg:$0x16]  }
0xbb: {  	s22 =	sor.u32 $0x1C05, s25;
	s24 =	rddreg [dreg:$0x5];
	s23 =	sshrl.u32 s6, $0x3  }
0xbc: {  	[spmem:s23], [sflag:s22] =	dma.local [hbm:s24], $0x4F0  }
0xbd: {  	s6 =	rddreg [dreg:$0x6]  }
0xbe: {  	[tilespmem:s30], [sflag:$0x6] =	stream.linear.gather [hbm4b:s6+s26], $0x1000, $0x38;
	[tilespmem:$0x1E580] =	vst v63  }
0xbf: {  	_ =	swait.ge [sflag:s31], $0x500  }
0xc0: {  	[sflag:s31] =	ssyncset.done $0x0  }
0xc1: {  	[sflag:s31] =	ssyncadd.s32 $0xFFFFFB00  }
0xc2: {  	_ =	swait.ge [sflag:s0], $0x500  }
0xc3: {  	[sflag:s0] =	ssyncset.done $0x0  }
0xc4: {  	[sflag:s0] =	ssyncadd.s32 $0xFFFFFB00  }
0xc5: {  	_ =	swait.ge [sflag:s3], $0x500  }
0xc6: {  	[sflag:s3] =	ssyncset.done $0x0  }
0xc7: {  	[sflag:s3] =	ssyncadd.s32 $0xFFFFFB00  }
0xc8: {  	_ =	swait.ge [sflag:s11], $0x4C0  }
0xc9: {  	[sflag:s11] =	ssyncset.done $0x0  }
0xca: {  	[sflag:s11] =	ssyncadd.s32 $0xFFFFFB40  }
0xcb: {  	_ =	swait.ge [sflag:s12], $0x4F0  }
0xcc: {  	[sflag:s12] =	ssyncset.done $0x0  }
0xcd: {  	[sflag:s12] =	ssyncadd.s32 $0xFFFFFB10  }
.Ltmp2:
0xce: {  	_ =	swait.ge [sflag:s13], $0x1000;
	(pc) =	sbr.rel @p0 .LBB2_5-.Ltmp2, $3  }
0xcf: {  	[sflag:s13] =	ssyncset.done $0x0  }
0xd0: {  	[sflag:s13] =	ssyncadd.s32 $0xFFFFF000  }
0xd1: {  	[bflag:$0x0] =	sbarrier.arrive $0xFFFF;
	_ =	sdelay $0x1  }
0xd2: {  	s24 =	simm.s32 $0x0;
	s26 =	rddreg [dreg:$0x9]  }
0xd3: {  	[tilespmem:s24], [sflag:$0x7] =	stream.linear.gather [hbm4b:s26+s24], $0x4800, $0x38;
	[tilespmem:$0x1E580] =	vst v63  }
0xd4: {  	_ =	swait.ge [sflag:s14], $0x4800  }
0xd5: {  	[sflag:s14] =	ssyncset.done $0x0  }
0xd6: {  	s6 =	smov.u32 s28;
	s28 =	rddreg [dreg:$0xa];
	[sflag:s14] =	ssyncadd.s32 $0xFFFFB800  }
0xd7: {  	[tilespmem:s5], [sflag:$0x7] =	stream.linear.gather [hbm4b:s28+s24], $0x4800, $0x38;
	[tilespmem:$0x1E580] =	vst v63  }
0xd8: {  	_ =	swait.ge [sflag:s14], $0x4800  }
0xd9: {  	[sflag:s14] =	ssyncset.done $0x0  }
0xda: {  	[sflag:s14] =	ssyncadd.s32 $0xFFFFB800  }
0xdb: {  	[tilespmem:s8], [sflag:$0x1] =	stream.indirect.gather [hbm4b:s1+s7], $0x40, s24, s7, $0xb8;
	[tilespmem:$0x1E580] =	vst v63  }
0xdc: {  	_ = 	snop  }
0xdd: {  	[tilespmem:s9], [sflag:$0x2] =	stream.indirect.gather [hbm4b:s1+s7], $0x40, s7, s7, $0xb8;
	[tilespmem:$0x1E580] =	vst v63  }
0xde: {  	_ =	swait.ge [sflag:s31], $0x4000  }
0xdf: {  	[sflag:s31] =	ssyncset.done $0x0  }
0xe0: {  	s28 =	simm.s32 $0x4800;
	[sflag:s31] =	ssyncadd.s32 $0xFFFFC000  }
0xe1: {  	[spmem:s2] =	stream.indirect.scatter.add.bf16 [tilespmem:s8], [sflag:$0x7], $0x40, s28, s7, $0xb8;
	[tilespmem:$0x1E580] =	vst v63  }
0xe2: {  	_ =	swait.ge [sflag:s14], $0x4000  }
0xe3: {  	[sflag:s14] =	ssyncset.done $0x0  }
0xe4: {  	[sflag:s14] =	ssyncadd.s32 $0xFFFFC000  }
0xe5: {  	[spmem:s4] =	stream.indirect.scatter.add.bf16 [tilespmem:s30], [sflag:$0x7], $0x10, s28, s7, $0xb8;
	[tilespmem:$0x1E580] =	vst v63  }
0xe6: {  	_ =	swait.ge [sflag:s14], $0x1000  }
0xe7: {  	[sflag:s14] =	ssyncset.done $0x0  }
0xe8: {  	s26 =	simm.s32 $0x200;
	[sflag:s14] =	ssyncadd.s32 $0xFFFFF000  }
0xe9: {  	[tilespmem:s8], [sflag:$0x1] =	stream.indirect.gather [hbm4b:s1+s7], $0x40, s26, s7, $0xb8;
	[tilespmem:$0x1E580] =	vst v63  }
0xea: {  	_ =	swait.ge [sflag:s0], $0x4000  }
0xeb: {  	[sflag:s0] =	ssyncset.done $0x0  }
0xec: {  	s28 =	simm.s32 $0x4900;
	[sflag:s0] =	ssyncadd.s32 $0xFFFFC000  }
0xed: {  	[spmem:s2] =	stream.indirect.scatter.add.bf16 [tilespmem:s9], [sflag:$0x7], $0x40, s28, s7, $0xb8;
	[tilespmem:$0x1E580] =	vst v63  }
0xee: {  	_ =	swait.ge [sflag:s14], $0x4000  }
0xef: {  	p1 =	por $0x0, $0x0;
	[sflag:s14] =	ssyncset.done $0x0  }
.Ltmp3:
0xf0: {  	[sflag:s14] =	ssyncadd.s32 $0xFFFFC000;
	(pc) =	sbr.rel @p1 .LBB2_4-.Ltmp3, $4  }
0xf1: {  	[spmem:s4] =	stream.indirect.scatter.add.bf16 [tilespmem:s30], [sflag:$0x7], $0x10, s28, s7, $0xb8;
	[tilespmem:$0x1E580] =	vst v63  }
0xf2: {  	_ =	swait.ge [sflag:s14], $0x1000  }
0xf3: {  	[sflag:s14] =	ssyncset.done $0x0  }
0xf4: {  	s24 =	simm.s32 $0x800;
	s26 =	simm.s32 $0x300;
	[sflag:s14] =	ssyncadd.s32 $0xFFFFF000  }
.LBB2_3:
0xf5: {  	[tilespmem:s9], [sflag:$0x2] =	stream.indirect.gather [hbm4b:s1+s7], $0x40, s26, s7, $0xb8;
	[tilespmem:$0x1E580] =	vst v63  }
0xf6: {  	s26 =	smov.u32 s24  }
0xf7: {  	p1 =	seq.s32 s24, $0x11000;
	s24 =	sadd.s32 $0x800, s24;
	_ =	swait.ge [sflag:s31], $0x4000  }
0xf8: {  	s26 =	sshra.s32 s26, $0x2;
	[sflag:s31] =	ssyncset.done $0x0  }
0xf9: {  	s28 =	sadd.s32 $0x4800, s26;
	[sflag:s31] =	ssyncadd.s32 $0xFFFFC000  }
0xfa: {  	[spmem:s2] =	stream.indirect.scatter.add.bf16 [tilespmem:s8], [sflag:$0x7], $0x40, s28, s7, $0xb8;
	[tilespmem:$0x1E580] =	vst v63  }
0xfb: {  	_ =	swait.ge [sflag:s14], $0x4000  }
0xfc: {  	[sflag:s14] =	ssyncset.done $0x0  }
0xfd: {  	[sflag:s14] =	ssyncadd.s32 $0xFFFFC000  }
0xfe: {  	[spmem:s4] =	stream.indirect.scatter.add.bf16 [tilespmem:s30], [sflag:$0x7], $0x10, s28, s7, $0xb8;
	[tilespmem:$0x1E580] =	vst v63  }
0xff: {  	_ =	swait.ge [sflag:s14], $0x1000  }
0x100: {  	[sflag:s14] =	ssyncset.done $0x0  }
0x101: {  	s28 =	sadd.s32 $0x200, s26;
	[sflag:s14] =	ssyncadd.s32 $0xFFFFF000  }
0x102: {  	[tilespmem:s8], [sflag:$0x1] =	stream.indirect.gather [hbm4b:s1+s7], $0x40, s28, s7, $0xb8;
	[tilespmem:$0x1E580] =	vst v63  }
0x103: {  	_ =	swait.ge [sflag:s0], $0x4000  }
0x104: {  	[sflag:s0] =	ssyncset.done $0x0  }
0x105: {  	s28 =	sadd.s32 $0x4900, s26;
	[sflag:s0] =	ssyncadd.s32 $0xFFFFC000  }
0x106: {  	[spmem:s2] =	stream.indirect.scatter.add.bf16 [tilespmem:s9], [sflag:$0x7], $0x40, s28, s7, $0xb8;
	[tilespmem:$0x1E580] =	vst v63  }
0x107: {  	_ =	swait.ge [sflag:s14], $0x4000  }
0x108: {  	[sflag:s14] =	ssyncset.done $0x0  }
.Ltmp4:
0x109: {  	[sflag:s14] =	ssyncadd.s32 $0xFFFFC000;
	(pc) =	sbr.rel @!p1 .LBB2_3-.Ltmp4, $4  }
0x10a: {  	[spmem:s4] =	stream.indirect.scatter.add.bf16 [tilespmem:s30], [sflag:$0x7], $0x10, s28, s7, $0xb8;
	[tilespmem:$0x1E580] =	vst v63  }
0x10b: {  	_ =	swait.ge [sflag:s14], $0x1000  }
0x10c: {  	[sflag:s14] =	ssyncset.done $0x0  }
0x10d: {  	s26 =	sadd.s32 $0x300, s26;
	[sflag:s14] =	ssyncadd.s32 $0xFFFFF000  }
.LBB2_4:
.Ltmp5:
0x10e: {  	(pc) =	sbr.rel .LBB2_6-.Ltmp5, $3  }
0x10f: {  	_ =	sdelay $0x1  }
0x110: {  	[tilespmem:s9], [sflag:$0x2] =	stream.indirect.gather [hbm4b:s1+s7], $0x40, s26, s7, $0xb8;
	[tilespmem:$0x1E580] =	vst v63  }
0x111: {  	s24 =	simm.s32 $0x8F00;
	s26 =	simm.s32 $0x8E00;
	s28 =	smov.u32 s6  }
.LBB2_7:
0x112: {  	_ =	sfence.sel $0x180000  }
0x113: {  	[bflag:$0x0] =	sbarrier.arrive $0xFFFF  }
0x114: {  	_ =	strace $0x90000047  }
0x115: {  	s0 =	stileid.u32;
	[bflag:$0x2] =	sbarrier.arrive $0xFFFF  }
0x116: {  	p0 =	sne.s32 s0, $0x0;
	s0 =	rddreg [dreg:$0x4]  }
0x117: {  	s0 =	sadd.s32 @!p0 $0x100000, s0  }
0x118: {  	[sflag:s0] =	ssyncadd.tile.s32 @!p0 $0x1;
	_ =	shalt  }
.Lfunc_end2:
_tile_overlayer_lowered:
.L_overlay_start_2:
0x119: {  	(tag) =	ssettag $0x2  }
0x11a: {  	s0 =	rddreg [dreg:$0x0];
	s2 =	stileid.u32  }
0x11b: {  	s1 =	rddreg [dreg:$0x1];
	p0 =	sne.s32 s2, $0x0  }
0x11c: {  	s3 =	rddreg [dreg:$0x2];
	[bflag:$0x3] =	sbarrier.arrive $0xFFFF;
	s2 =	simm.s32 @!p0 $0x1C07  }
0x11d: {  	[timem:s3], [sflag:s2] =	dma.local @!p0 [hbm:s0], s1  }
0x11e: {  	s0 =	simm.s32 @!p0 $0x7  }
0x11f: {  	_ =	swait.ge @!p0 [sflag:s0], s1  }
0x120: {  	s1 =	ssub.s32 @!p0 $0x0, s1;
	[sflag:s0] =	ssyncset.done @!p0 $0x0  }
0x121: {  	[sflag:s0] =	ssyncadd.s32 @!p0 s1  }
0x122: {  	[bflag:$0x3] =	sbarrier.arrive $0xFFFF  }
0x123: {  	_ =	shalt  }

</sc_bundles>
